<compile_context>
chip_gen: v7x
topology: tpu7x:2x2x1
jax: 0.10.2.dev20260603
libtpu: 0.0.44.dev20260713+nightly
codegen_flags: <defaults>
</compile_context>

<pallas_src>
import functools

import jax
import jax.numpy as jnp
from jax import lax
from jax.experimental import pallas as pl
from jax.experimental.pallas import tpu as pltpu
from jax.experimental.pallas import tpu_sc as plsc

_D = 128
_B = 16384
_NW = 16
_L = 16
_BPW = _B // _NW
_HW = _BPW // 2

_mesh = plsc.VectorSubcoreMesh(
    core_axis_name="c", subcore_axis_name="s", num_cores=1)


@functools.partial(
    pl.kernel,
    mesh=_mesh,
    out_type=jax.ShapeDtypeStruct((_B,), jnp.float32),
    scratch_types=[
        pltpu.VMEM((_BPW,), jnp.int32),
        pltpu.VMEM((_BPW,), jnp.int32),
        pltpu.VMEM((_BPW,), jnp.int32),
        pltpu.VMEM((_BPW,), jnp.float32),
        pltpu.SemaphoreType.DMA,
        pltpu.SemaphoreType.DMA,
        pltpu.SemaphoreType.DMA,
        pltpu.SemaphoreType.DMA,
    ],
)
def _gather_kernel(uid_hbm, iid_hbm, tab_hbm, out_hbm,
                   uid_v, iid_v, idx_v, val_v,
                   sem_in, sem_g1, sem_g2, sem_st):
    wid = lax.axis_index("s")
    base = wid * _BPW
    ld_u1 = pltpu.async_copy(uid_hbm.at[pl.ds(base, _HW)],
                             uid_v.at[pl.ds(0, _HW)], sem_in)
    ld_i1 = pltpu.async_copy(iid_hbm.at[pl.ds(base, _HW)],
                             iid_v.at[pl.ds(0, _HW)], sem_in)
    ld_u2 = pltpu.async_copy(uid_hbm.at[pl.ds(base + _HW, _HW)],
                             uid_v.at[pl.ds(_HW, _HW)], sem_in)
    ld_i2 = pltpu.async_copy(iid_hbm.at[pl.ds(base + _HW, _HW)],
                             iid_v.at[pl.ds(_HW, _HW)], sem_in)
    ld_u1.wait()
    ld_i1.wait()
    for k in range(_HW // _L):
        off = k * _L
        u = uid_v[pl.ds(off, _L)]
        it = iid_v[pl.ds(off, _L)]
        idx_v[pl.ds(off, _L)] = u * _D + it
    g1 = pltpu.async_copy(tab_hbm.at[idx_v.at[pl.ds(0, _HW)]],
                          val_v.at[pl.ds(0, _HW)], sem_g1)
    ld_u2.wait()
    ld_i2.wait()
    for k in range(_HW // _L):
        off = _HW + k * _L
        u = uid_v[pl.ds(off, _L)]
        it = iid_v[pl.ds(off, _L)]
        idx_v[pl.ds(off, _L)] = u * _D + it
    g2 = pltpu.async_copy(tab_hbm.at[idx_v.at[pl.ds(_HW, _HW)]],
                          val_v.at[pl.ds(_HW, _HW)], sem_g2)
    g1.wait()
    st1 = pltpu.async_copy(val_v.at[pl.ds(0, _HW)],
                           out_hbm.at[pl.ds(base, _HW)], sem_st)
    g2.wait()
    st2 = pltpu.async_copy(val_v.at[pl.ds(_HW, _HW)],
                           out_hbm.at[pl.ds(base + _HW, _HW)], sem_st)
    st1.wait()
    st2.wait()


def kernel(user_ids, item_ids, items_cnts):
    flat_table = items_cnts.reshape(-1)
    return _gather_kernel(user_ids.astype(jnp.int32),
                          item_ids.astype(jnp.int32),
                          flat_table)

# --- scband reference (transcript-rebuilt; emitter-appended) ---
"""Pipeline reference for scband-top-personal-2181843387125 (READ-ONLY COPY).

The authoritative reference and input builder live on the scoring server;
editing this copy changes nothing except your own understanding.
"""

import jax, jax.numpy as jnp
import numpy as np

USER_NUM = 100000
ITEM_NUM = 128
BATCH = 16384


def setup_inputs(seed: int = 0) -> dict:
    key = jax.random.key(seed)
    k1, k2, k3 = jax.random.split(key, 3)
    # Learned/pretrained parameter: per-user item click-count table [user_num, item_num].
    # In the original module this is built from the corpus in pretrain(); here we
    # materialize it with random non-negative counts.
    items_cnts = jax.random.randint(k1, (USER_NUM, ITEM_NUM), 0, 50).astype(jnp.float32)
    user_ids = jax.random.randint(k2, (BATCH,), 0, USER_NUM)
    item_ids = jax.random.randint(k3, (BATCH,), 0, ITEM_NUM)
    return {"user_ids": user_ids, "item_ids": item_ids, "items_cnts": items_cnts}


def reference(user_ids, item_ids, items_cnts):
    # user_emb = self.items_cnts[user_ids].reshape((-1, self.item_num))
    user_emb = jnp.take(items_cnts, user_ids, axis=0).reshape((-1, ITEM_NUM))
    # predictions = user_emb[torch.arange(B), item_ids]
    predictions = user_emb[jnp.arange(user_emb.shape[0]), item_ids]
    return predictions

if __name__ == "__main__":
    import jax
    _d = setup_inputs()
    print(jax.jit(kernel)(*tuple(_d.values())))

</pallas_src>

<mosaic_0001>
#map = affine_map<(d0, d1) -> (0)>
module attributes {stable_mosaic.version = 14 : i64} {
  func.func @_gather_kernel(%arg0: i32, %arg1: i32, %arg2: memref<16384xi32, #tpu.memory_space<hbm>>, %arg3: memref<16384xi32, #tpu.memory_space<hbm>>, %arg4: memref<12800000xf32, #tpu.memory_space<hbm>>, %arg5: memref<16384xf32, #tpu.memory_space<hbm>>, %arg6: memref<1024xi32, #tpu.memory_space<vmem>>, %arg7: memref<1024xi32, #tpu.memory_space<vmem>>, %arg8: memref<1024xi32, #tpu.memory_space<vmem>>, %arg9: memref<1024xf32, #tpu.memory_space<vmem>>, %arg10: memref<!tpu.dma_semaphore, #tpu.memory_space<semaphore_mem>>, %arg11: memref<!tpu.dma_semaphore, #tpu.memory_space<semaphore_mem>>, %arg12: memref<!tpu.dma_semaphore, #tpu.memory_space<semaphore_mem>>, %arg13: memref<!tpu.dma_semaphore, #tpu.memory_space<semaphore_mem>>) attributes {dimension_semantics = [#tpu.dimension_semantics<core_parallel>, #tpu.dimension_semantics<subcore_parallel>], iteration_bounds = array<i64: 1, 16>, scalar_prefetch = 0 : i64, scratch_operands = 8 : i64, tpu.core_type = #tpu.core_type<sc_vector_subcore>, window_params = [{transform_indices = #map}, {transform_indices = #map}, {transform_indices = #map}, {transform_indices = #map}]} {
    %mul3A = arith.constant 1024 : i32
    %mul3A_0 = arith.muli %arg1, %mul3A : i32
    %dma_start3A = arith.constant 0 : i32
    %dma_start3A_1 = tpu.memref_slice %arg6[%dma_start3A] : memref<1024xi32, #tpu.memory_space<vmem>> -> memref<512xi32, #tpu.memory_space<vmem>>
    %dma_start3A_2 = tpu.memref_slice %arg2[%mul3A_0] : memref<16384xi32, #tpu.memory_space<hbm>> -> memref<512xi32, #tpu.memory_space<hbm>>
    %dma_start3A_3 = arith.constant 0 : i32
    %dma_start3A_4 = tpu.memref_slice %arg6[%dma_start3A_3] : memref<1024xi32, #tpu.memory_space<vmem>> -> memref<512xi32, #tpu.memory_space<vmem>>
    %dma_start3A_5 = tpu.memref_slice %arg2[%mul3A_0] : memref<16384xi32, #tpu.memory_space<hbm>> -> memref<512xi32, #tpu.memory_space<hbm>>
    tpu.enqueue_dma source(%dma_start3A_5 : memref<512xi32, #tpu.memory_space<hbm>>) target(%dma_start3A_4 : memref<512xi32, #tpu.memory_space<vmem>>) target_semaphore(%arg10 : memref<!tpu.dma_semaphore, #tpu.memory_space<semaphore_mem>>)
    %dma_start3A_6 = arith.constant 0 : i32
    %dma_start3A_7 = tpu.memref_slice %arg7[%dma_start3A_6] : memref<1024xi32, #tpu.memory_space<vmem>> -> memref<512xi32, #tpu.memory_space<vmem>>
    %dma_start3A_8 = tpu.memref_slice %arg3[%mul3A_0] : memref<16384xi32, #tpu.memory_space<hbm>> -> memref<512xi32, #tpu.memory_space<hbm>>
    %dma_start3A_9 = arith.constant 0 : i32
    %dma_start3A_10 = tpu.memref_slice %arg7[%dma_start3A_9] : memref<1024xi32, #tpu.memory_space<vmem>> -> memref<512xi32, #tpu.memory_space<vmem>>
    %dma_start3A_11 = tpu.memref_slice %arg3[%mul3A_0] : memref<16384xi32, #tpu.memory_space<hbm>> -> memref<512xi32, #tpu.memory_space<hbm>>
    tpu.enqueue_dma source(%dma_start3A_11 : memref<512xi32, #tpu.memory_space<hbm>>) target(%dma_start3A_10 : memref<512xi32, #tpu.memory_space<vmem>>) target_semaphore(%arg10 : memref<!tpu.dma_semaphore, #tpu.memory_space<semaphore_mem>>)
    %add3A = arith.constant 512 : i32
    %add3A_12 = arith.addi %mul3A_0, %add3A : i32
    %dma_start3A_13 = arith.constant 512 : i32
    %dma_start3A_14 = tpu.memref_slice %arg6[%dma_start3A_13] : memref<1024xi32, #tpu.memory_space<vmem>> -> memref<512xi32, #tpu.memory_space<vmem>>
    %dma_start3A_15 = tpu.memref_slice %arg2[%add3A_12] : memref<16384xi32, #tpu.memory_space<hbm>> -> memref<512xi32, #tpu.memory_space<hbm>>
    %dma_start3A_16 = arith.constant 512 : i32
    %dma_start3A_17 = tpu.memref_slice %arg6[%dma_start3A_16] : memref<1024xi32, #tpu.memory_space<vmem>> -> memref<512xi32, #tpu.memory_space<vmem>>
    %dma_start3A_18 = tpu.memref_slice %arg2[%add3A_12] : memref<16384xi32, #tpu.memory_space<hbm>> -> memref<512xi32, #tpu.memory_space<hbm>>
    tpu.enqueue_dma source(%dma_start3A_18 : memref<512xi32, #tpu.memory_space<hbm>>) target(%dma_start3A_17 : memref<512xi32, #tpu.memory_space<vmem>>) target_semaphore(%arg10 : memref<!tpu.dma_semaphore, #tpu.memory_space<semaphore_mem>>)
    %add3A_19 = arith.constant 512 : i32
    %add3A_20 = arith.addi %mul3A_0, %add3A_19 : i32
    %dma_start3A_21 = arith.constant 512 : i32
    %dma_start3A_22 = tpu.memref_slice %arg7[%dma_start3A_21] : memref<1024xi32, #tpu.memory_space<vmem>> -> memref<512xi32, #tpu.memory_space<vmem>>
    %dma_start3A_23 = tpu.memref_slice %arg3[%add3A_20] : memref<16384xi32, #tpu.memory_space<hbm>> -> memref<512xi32, #tpu.memory_space<hbm>>
    %dma_start3A_24 = arith.constant 512 : i32
    %dma_start3A_25 = tpu.memref_slice %arg7[%dma_start3A_24] : memref<1024xi32, #tpu.memory_space<vmem>> -> memref<512xi32, #tpu.memory_space<vmem>>
    %dma_start3A_26 = tpu.memref_slice %arg3[%add3A_20] : memref<16384xi32, #tpu.memory_space<hbm>> -> memref<512xi32, #tpu.memory_space<hbm>>
    tpu.enqueue_dma source(%dma_start3A_26 : memref<512xi32, #tpu.memory_space<hbm>>) target(%dma_start3A_25 : memref<512xi32, #tpu.memory_space<vmem>>) target_semaphore(%arg10 : memref<!tpu.dma_semaphore, #tpu.memory_space<semaphore_mem>>)
    %dma_wait3A = arith.constant 0 : i32
    %dma_wait3A_27 = tpu.memref_slice %arg6[%dma_wait3A] : memref<1024xi32, #tpu.memory_space<vmem>> -> memref<512xi32, #tpu.memory_space<vmem>>
    %dma_wait3A_28 = tpu.memref_slice %arg2[%mul3A_0] : memref<16384xi32, #tpu.memory_space<hbm>> -> memref<512xi32, #tpu.memory_space<hbm>>
    %dma_wait3A_29 = arith.constant 0 : i32
    %dma_wait3A_30 = tpu.memref_slice %arg6[%dma_wait3A_29] : memref<1024xi32, #tpu.memory_space<vmem>> -> memref<512xi32, #tpu.memory_space<vmem>>
    %dma_wait3A_31 = tpu.memref_slice %arg2[%mul3A_0] : memref<16384xi32, #tpu.memory_space<hbm>> -> memref<512xi32, #tpu.memory_space<hbm>>
    tpu.wait_dma2 semaphore(%arg10 : memref<!tpu.dma_semaphore, #tpu.memory_space<semaphore_mem>>) src(%dma_wait3A_31 : memref<512xi32, #tpu.memory_space<hbm>>) dst(%dma_wait3A_30 : memref<512xi32, #tpu.memory_space<vmem>>)
    %dma_wait3A_32 = arith.constant 0 : i32
    %dma_wait3A_33 = tpu.memref_slice %arg7[%dma_wait3A_32] : memref<1024xi32, #tpu.memory_space<vmem>> -> memref<512xi32, #tpu.memory_space<vmem>>
    %dma_wait3A_34 = tpu.memref_slice %arg3[%mul3A_0] : memref<16384xi32, #tpu.memory_space<hbm>> -> memref<512xi32, #tpu.memory_space<hbm>>
    %dma_wait3A_35 = arith.constant 0 : i32
    %dma_wait3A_36 = tpu.memref_slice %arg7[%dma_wait3A_35] : memref<1024xi32, #tpu.memory_space<vmem>> -> memref<512xi32, #tpu.memory_space<vmem>>
    %dma_wait3A_37 = tpu.memref_slice %arg3[%mul3A_0] : memref<16384xi32, #tpu.memory_space<hbm>> -> memref<512xi32, #tpu.memory_space<hbm>>
    tpu.wait_dma2 semaphore(%arg10 : memref<!tpu.dma_semaphore, #tpu.memory_space<semaphore_mem>>) src(%dma_wait3A_37 : memref<512xi32, #tpu.memory_space<hbm>>) dst(%dma_wait3A_36 : memref<512xi32, #tpu.memory_space<vmem>>)
    %get3A = arith.constant 0 : index
    %get3A_38 = tpu.vector_load %arg6[%get3A] {strides = array<i32>} : memref<1024xi32, #tpu.memory_space<vmem>>, vector<16xi32>,
    %get3A_39 = vector.shape_cast %get3A_38 : vector<16xi32> to vector<16xi32>
    %get3A_40 = arith.constant 0 : index
    %get3A_41 = tpu.vector_load %arg7[%get3A_40] {strides = array<i32>} : memref<1024xi32, #tpu.memory_space<vmem>>, vector<16xi32>,
    %get3A_42 = vector.shape_cast %get3A_41 : vector<16xi32> to vector<16xi32>
    %mul3A_43 = arith.constant 128 : i32
    %mul3A_44 = vector.broadcast %mul3A_43 : i32 to vector<16xi32>
    %mul3A_45 = arith.muli %get3A_39, %mul3A_44 : vector<16xi32>
    %add3A_46 = arith.addi %mul3A_45, %get3A_42 : vector<16xi32>
    %swap3A = arith.constant 0 : index
    %swap3A_47 = tpu.vector_load %arg8[%swap3A] {strides = array<i32>} : memref<1024xi32, #tpu.memory_space<vmem>>, vector<16xi32>,
    %swap3A_48 = vector.shape_cast %swap3A_47 : vector<16xi32> to vector<16xi32>
    %swap3A_49 = vector.shape_cast %add3A_46 : vector<16xi32> to vector<16xi32>
    tpu.vector_store %arg8[%swap3A], %swap3A_49 {strides = array<i32>} : memref<1024xi32, #tpu.memory_space<vmem>>, vector<16xi32>,
    %get3A_50 = arith.constant 16 : index
    %get3A_51 = tpu.vector_load %arg6[%get3A_50] {strides = array<i32>} : memref<1024xi32, #tpu.memory_space<vmem>>, vector<16xi32>,
    %get3A_52 = vector.shape_cast %get3A_51 : vector<16xi32> to vector<16xi32>
    %get3A_53 = arith.constant 16 : index
    %get3A_54 = tpu.vector_load %arg7[%get3A_53] {strides = array<i32>} : memref<1024xi32, #tpu.memory_space<vmem>>, vector<16xi32>,
    %get3A_55 = vector.shape_cast %get3A_54 : vector<16xi32> to vector<16xi32>
    %mul3A_56 = arith.constant 128 : i32
    %mul3A_57 = vector.broadcast %mul3A_56 : i32 to vector<16xi32>
    %mul3A_58 = arith.muli %get3A_52, %mul3A_57 : vector<16xi32>
    %add3A_59 = arith.addi %mul3A_58, %get3A_55 : vector<16xi32>
    %swap3A_60 = arith.constant 16 : index
    %swap3A_61 = tpu.vector_load %arg8[%swap3A_60] {strides = array<i32>} : memref<1024xi32, #tpu.memory_space<vmem>>, vector<16xi32>,
    %swap3A_62 = vector.shape_cast %swap3A_61 : vector<16xi32> to vector<16xi32>
    %swap3A_63 = vector.shape_cast %add3A_59 : vector<16xi32> to vector<16xi32>
    tpu.vector_store %arg8[%swap3A_60], %swap3A_63 {strides = array<i32>} : memref<1024xi32, #tpu.memory_space<vmem>>, vector<16xi32>,
    %get3A_64 = arith.constant 32 : index
    %get3A_65 = tpu.vector_load %arg6[%get3A_64] {strides = array<i32>} : memref<1024xi32, #tpu.memory_space<vmem>>, vector<16xi32>,
    %get3A_66 = vector.shape_cast %get3A_65 : vector<16xi32> to vector<16xi32>
    %get3A_67 = arith.constant 32 : index
    %get3A_68 = tpu.vector_load %arg7[%get3A_67] {strides = array<i32>} : memref<1024xi32, #tpu.memory_space<vmem>>, vector<16xi32>,
    %get3A_69 = vector.shape_cast %get3A_68 : vector<16xi32> to vector<16xi32>
    %mul3A_70 = arith.constant 128 : i32
    %mul3A_71 = vector.broadcast %mul3A_70 : i32 to vector<16xi32>
    %mul3A_72 = arith.muli %get3A_66, %mul3A_71 : vector<16xi32>
    %add3A_73 = arith.addi %mul3A_72, %get3A_69 : vector<16xi32>
    %swap3A_74 = arith.constant 32 : index
    %swap3A_75 = tpu.vector_load %arg8[%swap3A_74] {strides = array<i32>} : memref<1024xi32, #tpu.memory_space<vmem>>, vector<16xi32>,
    %swap3A_76 = vector.shape_cast %swap3A_75 : vector<16xi32> to vector<16xi32>
    %swap3A_77 = vector.shape_cast %add3A_73 : vector<16xi32> to vector<16xi32>
    tpu.vector_store %arg8[%swap3A_74], %swap3A_77 {strides = array<i32>} : memref<1024xi32, #tpu.memory_space<vmem>>, vector<16xi32>,
    %get3A_78 = arith.constant 48 : index
    %get3A_79 = tpu.vector_load %arg6[%get3A_78] {strides = array<i32>} : memref<1024xi32, #tpu.memory_space<vmem>>, vector<16xi32>,
    %get3A_80 = vector.shape_cast %get3A_79 : vector<16xi32> to vector<16xi32>
    %get3A_81 = arith.constant 48 : index
    %get3A_82 = tpu.vector_load %arg7[%get3A_81] {strides = array<i32>} : memref<1024xi32, #tpu.memory_space<vmem>>, vector<16xi32>,
    %get3A_83 = vector.shape_cast %get3A_82 : vector<16xi32> to vector<16xi32>
    %mul3A_84 = arith.constant 128 : i32
    %mul3A_85 = vector.broadcast %mul3A_84 : i32 to vector<16xi32>
    %mul3A_86 = arith.muli %get3A_80, %mul3A_85 : vector<16xi32>
    %add3A_87 = arith.addi %mul3A_86, %get3A_83 : vector<16xi32>
    %swap3A_88 = arith.constant 48 : index
    %swap3A_89 = tpu.vector_load %arg8[%swap3A_88] {strides = array<i32>} : memref<1024xi32, #tpu.memory_space<vmem>>, vector<16xi32>,
    %swap3A_90 = vector.shape_cast %swap3A_89 : vector<16xi32> to vector<16xi32>
    %swap3A_91 = vector.shape_cast %add3A_87 : vector<16xi32> to vector<16xi32>
    tpu.vector_store %arg8[%swap3A_88], %swap3A_91 {strides = array<i32>} : memref<1024xi32, #tpu.memory_space<vmem>>, vector<16xi32>,
    %get3A_92 = arith.constant 64 : index
    %get3A_93 = tpu.vector_load %arg6[%get3A_92] {strides = array<i32>} : memref<1024xi32, #tpu.memory_space<vmem>>, vector<16xi32>,
    %get3A_94 = vector.shape_cast %get3A_93 : vector<16xi32> to vector<16xi32>
    %get3A_95 = arith.constant 64 : index
    %get3A_96 = tpu.vector_load %arg7[%get3A_95] {strides = array<i32>} : memref<1024xi32, #tpu.memory_space<vmem>>, vector<16xi32>,
    %get3A_97 = vector.shape_cast %get3A_96 : vector<16xi32> to vector<16xi32>
    %mul3A_98 = arith.constant 128 : i32
    %mul3A_99 = vector.broadcast %mul3A_98 : i32 to vector<16xi32>
    %mul3A_100 = arith.muli %get3A_94, %mul3A_99 : vector<16xi32>
    %add3A_101 = arith.addi %mul3A_100, %get3A_97 : vector<16xi32>
    %swap3A_102 = arith.constant 64 : index
    %swap3A_103 = tpu.vector_load %arg8[%swap3A_102] {strides = array<i32>} : memref<1024xi32, #tpu.memory_space<vmem>>, vector<16xi32>,
    %swap3A_104 = vector.shape_cast %swap3A_103 : vector<16xi32> to vector<16xi32>
    %swap3A_105 = vector.shape_cast %add3A_101 : vector<16xi32> to vector<16xi32>
    tpu.vector_store %arg8[%swap3A_102], %swap3A_105 {strides = array<i32>} : memref<1024xi32, #tpu.memory_space<vmem>>, vector<16xi32>,
    %get3A_106 = arith.constant 80 : index
    %get3A_107 = tpu.vector_load %arg6[%get3A_106] {strides = array<i32>} : memref<1024xi32, #tpu.memory_space<vmem>>, vector<16xi32>,
    %get3A_108 = vector.shape_cast %get3A_107 : vector<16xi32> to vector<16xi32>
    %get3A_109 = arith.constant 80 : index
    %get3A_110 = tpu.vector_load %arg7[%get3A_109] {strides = array<i32>} : memref<1024xi32, #tpu.memory_space<vmem>>, vector<16xi32>,
    %get3A_111 = vector.shape_cast %get3A_110 : vector<16xi32> to vector<16xi32>
    %mul3A_112 = arith.constant 128 : i32
    %mul3A_113 = vector.broadcast %mul3A_112 : i32 to vector<16xi32>
    %mul3A_114 = arith.muli %get3A_108, %mul3A_113 : vector<16xi32>
    %add3A_115 = arith.addi %mul3A_114, %get3A_111 : vector<16xi32>
    %swap3A_116 = arith.constant 80 : index
    %swap3A_117 = tpu.vector_load %arg8[%swap3A_116] {strides = array<i32>} : memref<1024xi32, #tpu.memory_space<vmem>>, vector<16xi32>,
    %swap3A_118 = vector.shape_cast %swap3A_117 : vector<16xi32> to vector<16xi32>
    %swap3A_119 = vector.shape_cast %add3A_115 : vector<16xi32> to vector<16xi32>
    tpu.vector_store %arg8[%swap3A_116], %swap3A_119 {strides = array<i32>} : memref<1024xi32, #tpu.memory_space<vmem>>, vector<16xi32>,
    %get3A_120 = arith.constant 96 : index
    %get3A_121 = tpu.vector_load %arg6[%get3A_120] {strides = array<i32>} : memref<1024xi32, #tpu.memory_space<vmem>>, vector<16xi32>,
    %get3A_122 = vector.shape_cast %get3A_121 : vector<16xi32> to vector<16xi32>
    %get3A_123 = arith.constant 96 : index
    %get3A_124 = tpu.vector_load %arg7[%get3A_123] {strides = array<i32>} : memref<1024xi32, #tpu.memory_space<vmem>>, vector<16xi32>,
    %get3A_125 = vector.shape_cast %get3A_124 : vector<16xi32> to vector<16xi32>
    %mul3A_126 = arith.constant 128 : i32
    %mul3A_127 = vector.broadcast %mul3A_126 : i32 to vector<16xi32>
    %mul3A_128 = arith.muli %get3A_122, %mul3A_127 : vector<16xi32>
    %add3A_129 = arith.addi %mul3A_128, %get3A_125 : vector<16xi32>
    %swap3A_130 = arith.constant 96 : index
    %swap3A_131 = tpu.vector_load %arg8[%swap3A_130] {strides = array<i32>} : memref<1024xi32, #tpu.memory_space<vmem>>, vector<16xi32>,
    %swap3A_132 = vector.shape_cast %swap3A_131 : vector<16xi32> to vector<16xi32>
    %swap3A_133 = vector.shape_cast %add3A_129 : vector<16xi32> to vector<16xi32>
    tpu.vector_store %arg8[%swap3A_130], %swap3A_133 {strides = array<i32>} : memref<1024xi32, #tpu.memory_space<vmem>>, vector<16xi32>,
    %get3A_134 = arith.constant 112 : index
    %get3A_135 = tpu.vector_load %arg6[%get3A_134] {strides = array<i32>} : memref<1024xi32, #tpu.memory_space<vmem>>, vector<16xi32>,
    %get3A_136 = vector.shape_cast %get3A_135 : vector<16xi32> to vector<16xi32>
    %get3A_137 = arith.constant 112 : index
    %get3A_138 = tpu.vector_load %arg7[%get3A_137] {strides = array<i32>} : memref<1024xi32, #tpu.memory_space<vmem>>, vector<16xi32>,
    %get3A_139 = vector.shape_cast %get3A_138 : vector<16xi32> to vector<16xi32>
    %mul3A_140 = arith.constant 128 : i32
    %mul3A_141 = vector.broadcast %mul3A_140 : i32 to vector<16xi32>
    %mul3A_142 = arith.muli %get3A_136, %mul3A_141 : vector<16xi32>
    %add3A_143 = arith.addi %mul3A_142, %get3A_139 : vector<16xi32>
    %swap3A_144 = arith.constant 112 : index
    %swap3A_145 = tpu.vector_load %arg8[%swap3A_144] {strides = array<i32>} : memref<1024xi32, #tpu.memory_space<vmem>>, vector<16xi32>,
    %swap3A_146 = vector.shape_cast %swap3A_145 : vector<16xi32> to vector<16xi32>
    %swap3A_147 = vector.shape_cast %add3A_143 : vector<16xi32> to vector<16xi32>
    tpu.vector_store %arg8[%swap3A_144], %swap3A_147 {strides = array<i32>} : memref<1024xi32, #tpu.memory_space<vmem>>, vector<16xi32>,
    %get3A_148 = arith.constant 128 : index
    %get3A_149 = tpu.vector_load %arg6[%get3A_148] {strides = array<i32>} : memref<1024xi32, #tpu.memory_space<vmem>>, vector<16xi32>,
    %get3A_150 = vector.shape_cast %get3A_149 : vector<16xi32> to vector<16xi32>
    %get3A_151 = arith.constant 128 : index
    %get3A_152 = tpu.vector_load %arg7[%get3A_151] {strides = array<i32>} : memref<1024xi32, #tpu.memory_space<vmem>>, vector<16xi32>,
    %get3A_153 = vector.shape_cast %get3A_152 : vector<16xi32> to vector<16xi32>
    %mul3A_154 = arith.constant 128 : i32
    %mul3A_155 = vector.broadcast %mul3A_154 : i32 to vector<16xi32>
    %mul3A_156 = arith.muli %get3A_150, %mul3A_155 : vector<16xi32>
    %add3A_157 = arith.addi %mul3A_156, %get3A_153 : vector<16xi32>
    %swap3A_158 = arith.constant 128 : index
    %swap3A_159 = tpu.vector_load %arg8[%swap3A_158] {strides = array<i32>} : memref<1024xi32, #tpu.memory_space<vmem>>, vector<16xi32>,
    %swap3A_160 = vector.shape_cast %swap3A_159 : vector<16xi32> to vector<16xi32>
    %swap3A_161 = vector.shape_cast %add3A_157 : vector<16xi32> to vector<16xi32>
    tpu.vector_store %arg8[%swap3A_158], %swap3A_161 {strides = array<i32>} : memref<1024xi32, #tpu.memory_space<vmem>>, vector<16xi32>,
    %get3A_162 = arith.constant 144 : index
    %get3A_163 = tpu.vector_load %arg6[%get3A_162] {strides = array<i32>} : memref<1024xi32, #tpu.memory_space<vmem>>, vector<16xi32>,
    %get3A_164 = vector.shape_cast %get3A_163 : vector<16xi32> to vector<16xi32>
    %get3A_165 = arith.constant 144 : index
    %get3A_166 = tpu.vector_load %arg7[%get3A_165] {strides = array<i32>} : memref<1024xi32, #tpu.memory_space<vmem>>, vector<16xi32>,
    %get3A_167 = vector.shape_cast %get3A_166 : vector<16xi32> to vector<16xi32>
    %mul3A_168 = arith.constant 128 : i32
    %mul3A_169 = vector.broadcast %mul3A_168 : i32 to vector<16xi32>
    %mul3A_170 = arith.muli %get3A_164, %mul3A_169 : vector<16xi32>
    %add3A_171 = arith.addi %mul3A_170, %get3A_167 : vector<16xi32>
    %swap3A_172 = arith.constant 144 : index
    %swap3A_173 = tpu.vector_load %arg8[%swap3A_172] {strides = array<i32>} : memref<1024xi32, #tpu.memory_space<vmem>>, vector<16xi32>,
    %swap3A_174 = vector.shape_cast %swap3A_173 : vector<16xi32> to vector<16xi32>
    %swap3A_175 = vector.shape_cast %add3A_171 : vector<16xi32> to vector<16xi32>
    tpu.vector_store %arg8[%swap3A_172], %swap3A_175 {strides = array<i32>} : memref<1024xi32, #tpu.memory_space<vmem>>, vector<16xi32>,
    %get3A_176 = arith.constant 160 : index
    %get3A_177 = tpu.vector_load %arg6[%get3A_176] {strides = array<i32>} : memref<1024xi32, #tpu.memory_space<vmem>>, vector<16xi32>,
    %get3A_178 = vector.shape_cast %get3A_177 : vector<16xi32> to vector<16xi32>
    %get3A_179 = arith.constant 160 : index
    %get3A_180 = tpu.vector_load %arg7[%get3A_179] {strides = array<i32>} : memref<1024xi32, #tpu.memory_space<vmem>>, vector<16xi32>,
    %get3A_181 = vector.shape_cast %get3A_180 : vector<16xi32> to vector<16xi32>
    %mul3A_182 = arith.constant 128 : i32
    %mul3A_183 = vector.broadcast %mul3A_182 : i32 to vector<16xi32>
    %mul3A_184 = arith.muli %get3A_178, %mul3A_183 : vector<16xi32>
    %add3A_185 = arith.addi %mul3A_184, %get3A_181 : vector<16xi32>
    %swap3A_186 = arith.constant 160 : index
    %swap3A_187 = tpu.vector_load %arg8[%swap3A_186] {strides = array<i32>} : memref<1024xi32, #tpu.memory_space<vmem>>, vector<16xi32>,
    %swap3A_188 = vector.shape_cast %swap3A_187 : vector<16xi32> to vector<16xi32>
    %swap3A_189 = vector.shape_cast %add3A_185 : vector<16xi32> to vector<16xi32>
    tpu.vector_store %arg8[%swap3A_186], %swap3A_189 {strides = array<i32>} : memref<1024xi32, #tpu.memory_space<vmem>>, vector<16xi32>,
    %get3A_190 = arith.constant 176 : index
    %get3A_191 = tpu.vector_load %arg6[%get3A_190] {strides = array<i32>} : memref<1024xi32, #tpu.memory_space<vmem>>, vector<16xi32>,
    %get3A_192 = vector.shape_cast %get3A_191 : vector<16xi32> to vector<16xi32>
    %get3A_193 = arith.constant 176 : index
    %get3A_194 = tpu.vector_load %arg7[%get3A_193] {strides = array<i32>} : memref<1024xi32, #tpu.memory_space<vmem>>, vector<16xi32>,
    %get3A_195 = vector.shape_cast %get3A_194 : vector<16xi32> to vector<16xi32>
    %mul3A_196 = arith.constant 128 : i32
    %mul3A_197 = vector.broadcast %mul3A_196 : i32 to vector<16xi32>
    %mul3A_198 = arith.muli %get3A_192, %mul3A_197 : vector<16xi32>
    %add3A_199 = arith.addi %mul3A_198, %get3A_195 : vector<16xi32>
    %swap3A_200 = arith.constant 176 : index
    %swap3A_201 = tpu.vector_load %arg8[%swap3A_200] {strides = array<i32>} : memref<1024xi32, #tpu.memory_space<vmem>>, vector<16xi32>,
    %swap3A_202 = vector.shape_cast %swap3A_201 : vector<16xi32> to vector<16xi32>
    %swap3A_203 = vector.shape_cast %add3A_199 : vector<16xi32> to vector<16xi32>
    tpu.vector_store %arg8[%swap3A_200], %swap3A_203 {strides = array<i32>} : memref<1024xi32, #tpu.memory_space<vmem>>, vector<16xi32>,
    %get3A_204 = arith.constant 192 : index
    %get3A_205 = tpu.vector_load %arg6[%get3A_204] {strides = array<i32>} : memref<1024xi32, #tpu.memory_space<vmem>>, vector<16xi32>,
    %get3A_206 = vector.shape_cast %get3A_205 : vector<16xi32> to vector<16xi32>
    %get3A_207 = arith.constant 192 : index
    %get3A_208 = tpu.vector_load %arg7[%get3A_207] {strides = array<i32>} : memref<1024xi32, #tpu.memory_space<vmem>>, vector<16xi32>,
    %get3A_209 = vector.shape_cast %get3A_208 : vector<16xi32> to vector<16xi32>
    %mul3A_210 = arith.constant 128 : i32
    %mul3A_211 = vector.broadcast %mul3A_210 : i32 to vector<16xi32>
    %mul3A_212 = arith.muli %get3A_206, %mul3A_211 : vector<16xi32>
    %add3A_213 = arith.addi %mul3A_212, %get3A_209 : vector<16xi32>
    %swap3A_214 = arith.constant 192 : index
    %swap3A_215 = tpu.vector_load %arg8[%swap3A_214] {strides = array<i32>} : memref<1024xi32, #tpu.memory_space<vmem>>, vector<16xi32>,
    %swap3A_216 = vector.shape_cast %swap3A_215 : vector<16xi32> to vector<16xi32>
    %swap3A_217 = vector.shape_cast %add3A_213 : vector<16xi32> to vector<16xi32>
    tpu.vector_store %arg8[%swap3A_214], %swap3A_217 {strides = array<i32>} : memref<1024xi32, #tpu.memory_space<vmem>>, vector<16xi32>,
    %get3A_218 = arith.constant 208 : index
    %get3A_219 = tpu.vector_load %arg6[%get3A_218] {strides = array<i32>} : memref<1024xi32, #tpu.memory_space<vmem>>, vector<16xi32>,
    %get3A_220 = vector.shape_cast %get3A_219 : vector<16xi32> to vector<16xi32>
    %get3A_221 = arith.constant 208 : index
    %get3A_222 = tpu.vector_load %arg7[%get3A_221] {strides = array<i32>} : memref<1024xi32, #tpu.memory_space<vmem>>, vector<16xi32>,
    %get3A_223 = vector.shape_cast %get3A_222 : vector<16xi32> to vector<16xi32>
    %mul3A_224 = arith.constant 128 : i32
    %mul3A_225 = vector.broadcast %mul3A_224 : i32 to vector<16xi32>
    %mul3A_226 = arith.muli %get3A_220, %mul3A_225 : vector<16xi32>
    %add3A_227 = arith.addi %mul3A_226, %get3A_223 : vector<16xi32>
    %swap3A_228 = arith.constant 208 : index
    %swap3A_229 = tpu.vector_load %arg8[%swap3A_228] {strides = array<i32>} : memref<1024xi32, #tpu.memory_space<vmem>>, vector<16xi32>,
    %swap3A_230 = vector.shape_cast %swap3A_229 : vector<16xi32> to vector<16xi32>
    %swap3A_231 = vector.shape_cast %add3A_227 : vector<16xi32> to vector<16xi32>
    tpu.vector_store %arg8[%swap3A_228], %swap3A_231 {strides = array<i32>} : memref<1024xi32, #tpu.memory_space<vmem>>, vector<16xi32>,
    %get3A_232 = arith.constant 224 : index
    %get3A_233 = tpu.vector_load %arg6[%get3A_232] {strides = array<i32>} : memref<1024xi32, #tpu.memory_space<vmem>>, vector<16xi32>,
    %get3A_234 = vector.shape_cast %get3A_233 : vector<16xi32> to vector<16xi32>
    %get3A_235 = arith.constant 224 : index
    %get3A_236 = tpu.vector_load %arg7[%get3A_235] {strides = array<i32>} : memref<1024xi32, #tpu.memory_space<vmem>>, vector<16xi32>,
    %get3A_237 = vector.shape_cast %get3A_236 : vector<16xi32> to vector<16xi32>
    %mul3A_238 = arith.constant 128 : i32
    %mul3A_239 = vector.broadcast %mul3A_238 : i32 to vector<16xi32>
    %mul3A_240 = arith.muli %get3A_234, %mul3A_239 : vector<16xi32>
    %add3A_241 = arith.addi %mul3A_240, %get3A_237 : vector<16xi32>
    %swap3A_242 = arith.constant 224 : index
    %swap3A_243 = tpu.vector_load %arg8[%swap3A_242] {strides = array<i32>} : memref<1024xi32, #tpu.memory_space<vmem>>, vector<16xi32>,
    %swap3A_244 = vector.shape_cast %swap3A_243 : vector<16xi32> to vector<16xi32>
    %swap3A_245 = vector.shape_cast %add3A_241 : vector<16xi32> to vector<16xi32>
    tpu.vector_store %arg8[%swap3A_242], %swap3A_245 {strides = array<i32>} : memref<1024xi32, #tpu.memory_space<vmem>>, vector<16xi32>,
    %get3A_246 = arith.constant 240 : index
    %get3A_247 = tpu.vector_load %arg6[%get3A_246] {strides = array<i32>} : memref<1024xi32, #tpu.memory_space<vmem>>, vector<16xi32>,
    %get3A_248 = vector.shape_cast %get3A_247 : vector<16xi32> to vector<16xi32>
    %get3A_249 = arith.constant 240 : index
    %get3A_250 = tpu.vector_load %arg7[%get3A_249] {strides = array<i32>} : memref<1024xi32, #tpu.memory_space<vmem>>, vector<16xi32>,
    %get3A_251 = vector.shape_cast %get3A_250 : vector<16xi32> to vector<16xi32>
    %mul3A_252 = arith.constant 128 : i32
    %mul3A_253 = vector.broadcast %mul3A_252 : i32 to vector<16xi32>
    %mul3A_254 = arith.muli %get3A_248, %mul3A_253 : vector<16xi32>
    %add3A_255 = arith.addi %mul3A_254, %get3A_251 : vector<16xi32>
    %swap3A_256 = arith.constant 240 : index
    %swap3A_257 = tpu.vector_load %arg8[%swap3A_256] {strides = array<i32>} : memref<1024xi32, #tpu.memory_space<vmem>>, vector<16xi32>,
    %swap3A_258 = vector.shape_cast %swap3A_257 : vector<16xi32> to vector<16xi32>
    %swap3A_259 = vector.shape_cast %add3A_255 : vector<16xi32> to vector<16xi32>
    tpu.vector_store %arg8[%swap3A_256], %swap3A_259 {strides = array<i32>} : memref<1024xi32, #tpu.memory_space<vmem>>, vector<16xi32>,
    %get3A_260 = arith.constant 256 : index
    %get3A_261 = tpu.vector_load %arg6[%get3A_260] {strides = array<i32>} : memref<1024xi32, #tpu.memory_space<vmem>>, vector<16xi32>,
    %get3A_262 = vector.shape_cast %get3A_261 : vector<16xi32> to vector<16xi32>
    %get3A_263 = arith.constant 256 : index
    %get3A_264 = tpu.vector_load %arg7[%get3A_263] {strides = array<i32>} : memref<1024xi32, #tpu.memory_space<vmem>>, vector<16xi32>,
    %get3A_265 = vector.shape_cast %get3A_264 : vector<16xi32> to vector<16xi32>
    %mul3A_266 = arith.constant 128 : i32
    %mul3A_267 = vector.broadcast %mul3A_266 : i32 to vector<16xi32>
    %mul3A_268 = arith.muli %get3A_262, %mul3A_267 : vector<16xi32>
    %add3A_269 = arith.addi %mul3A_268, %get3A_265 : vector<16xi32>
    %swap3A_270 = arith.constant 256 : index
    %swap3A_271 = tpu.vector_load %arg8[%swap3A_270] {strides = array<i32>} : memref<1024xi32, #tpu.memory_space<vmem>>, vector<16xi32>,
    %swap3A_272 = vector.shape_cast %swap3A_271 : vector<16xi32> to vector<16xi32>
    %swap3A_273 = vector.shape_cast %add3A_269 : vector<16xi32> to vector<16xi32>
    tpu.vector_store %arg8[%swap3A_270], %swap3A_273 {strides = array<i32>} : memref<1024xi32, #tpu.memory_space<vmem>>, vector<16xi32>,
    %get3A_274 = arith.constant 272 : index
    %get3A_275 = tpu.vector_load %arg6[%get3A_274] {strides = array<i32>} : memref<1024xi32, #tpu.memory_space<vmem>>, vector<16xi32>,
    %get3A_276 = vector.shape_cast %get3A_275 : vector<16xi32> to vector<16xi32>
    %get3A_277 = arith.constant 272 : index
    %get3A_278 = tpu.vector_load %arg7[%get3A_277] {strides = array<i32>} : memref<1024xi32, #tpu.memory_space<vmem>>, vector<16xi32>,
    %get3A_279 = vector.shape_cast %get3A_278 : vector<16xi32> to vector<16xi32>
    %mul3A_280 = arith.constant 128 : i32
    %mul3A_281 = vector.broadcast %mul3A_280 : i32 to vector<16xi32>
    %mul3A_282 = arith.muli %get3A_276, %mul3A_281 : vector<16xi32>
    %add3A_283 = arith.addi %mul3A_282, %get3A_279 : vector<16xi32>
    %swap3A_284 = arith.constant 272 : index
    %swap3A_285 = tpu.vector_load %arg8[%swap3A_284] {strides = array<i32>} : memref<1024xi32, #tpu.memory_space<vmem>>, vector<16xi32>,
    %swap3A_286 = vector.shape_cast %swap3A_285 : vector<16xi32> to vector<16xi32>
    %swap3A_287 = vector.shape_cast %add3A_283 : vector<16xi32> to vector<16xi32>
    tpu.vector_store %arg8[%swap3A_284], %swap3A_287 {strides = array<i32>} : memref<1024xi32, #tpu.memory_space<vmem>>, vector<16xi32>,
    %get3A_288 = arith.constant 288 : index
    %get3A_289 = tpu.vector_load %arg6[%get3A_288] {strides = array<i32>} : memref<1024xi32, #tpu.memory_space<vmem>>, vector<16xi32>,
    %get3A_290 = vector.shape_cast %get3A_289 : vector<16xi32> to vector<16xi32>
    %get3A_291 = arith.constant 288 : index
    %get3A_292 = tpu.vector_load %arg7[%get3A_291] {strides = array<i32>} : memref<1024xi32, #tpu.memory_space<vmem>>, vector<16xi32>,
    %get3A_293 = vector.shape_cast %get3A_292 : vector<16xi32> to vector<16xi32>
    %mul3A_294 = arith.constant 128 : i32
    %mul3A_295 = vector.broadcast %mul3A_294 : i32 to vector<16xi32>
    %mul3A_296 = arith.muli %get3A_290, %mul3A_295 : vector<16xi32>
    %add3A_297 = arith.addi %mul3A_296, %get3A_293 : vector<16xi32>
    %swap3A_298 = arith.constant 288 : index
    %swap3A_299 = tpu.vector_load %arg8[%swap3A_298] {strides = array<i32>} : memref<1024xi32, #tpu.memory_space<vmem>>, vector<16xi32>,
    %swap3A_300 = vector.shape_cast %swap3A_299 : vector<16xi32> to vector<16xi32>
    %swap3A_301 = vector.shape_cast %add3A_297 : vector<16xi32> to vector<16xi32>
    tpu.vector_store %arg8[%swap3A_298], %swap3A_301 {strides = array<i32>} : memref<1024xi32, #tpu.memory_space<vmem>>, vector<16xi32>,
    %get3A_302 = arith.constant 304 : index
    %get3A_303 = tpu.vector_load %arg6[%get3A_302] {strides = array<i32>} : memref<1024xi32, #tpu.memory_space<vmem>>, vector<16xi32>,
    %get3A_304 = vector.shape_cast %get3A_303 : vector<16xi32> to vector<16xi32>
    %get3A_305 = arith.constant 304 : index
    %get3A_306 = tpu.vector_load %arg7[%get3A_305] {strides = array<i32>} : memref<1024xi32, #tpu.memory_space<vmem>>, vector<16xi32>,
    %get3A_307 = vector.shape_cast %get3A_306 : vector<16xi32> to vector<16xi32>
    %mul3A_308 = arith.constant 128 : i32
    %mul3A_309 = vector.broadcast %mul3A_308 : i32 to vector<16xi32>
    %mul3A_310 = arith.muli %get3A_304, %mul3A_309 : vector<16xi32>
    %add3A_311 = arith.addi %mul3A_310, %get3A_307 : vector<16xi32>
    %swap3A_312 = arith.constant 304 : index
    %swap3A_313 = tpu.vector_load %arg8[%swap3A_312] {strides = array<i32>} : memref<1024xi32, #tpu.memory_space<vmem>>, vector<16xi32>,
    %swap3A_314 = vector.shape_cast %swap3A_313 : vector<16xi32> to vector<16xi32>
    %swap3A_315 = vector.shape_cast %add3A_311 : vector<16xi32> to vector<16xi32>
    tpu.vector_store %arg8[%swap3A_312], %swap3A_315 {strides = array<i32>} : memref<1024xi32, #tpu.memory_space<vmem>>, vector<16xi32>,
    %get3A_316 = arith.constant 320 : index
    %get3A_317 = tpu.vector_load %arg6[%get3A_316] {strides = array<i32>} : memref<1024xi32, #tpu.memory_space<vmem>>, vector<16xi32>,
    %get3A_318 = vector.shape_cast %get3A_317 : vector<16xi32> to vector<16xi32>
    %get3A_319 = arith.constant 320 : index
    %get3A_320 = tpu.vector_load %arg7[%get3A_319] {strides = array<i32>} : memref<1024xi32, #tpu.memory_space<vmem>>, vector<16xi32>,
    %get3A_321 = vector.shape_cast %get3A_320 : vector<16xi32> to vector<16xi32>
    %mul3A_322 = arith.constant 128 : i32
    %mul3A_323 = vector.broadcast %mul3A_322 : i32 to vector<16xi32>
    %mul3A_324 = arith.muli %get3A_318, %mul3A_323 : vector<16xi32>
    %add3A_325 = arith.addi %mul3A_324, %get3A_321 : vector<16xi32>
    %swap3A_326 = arith.constant 320 : index
    %swap3A_327 = tpu.vector_load %arg8[%swap3A_326] {strides = array<i32>} : memref<1024xi32, #tpu.memory_space<vmem>>, vector<16xi32>,
    %swap3A_328 = vector.shape_cast %swap3A_327 : vector<16xi32> to vector<16xi32>
    %swap3A_329 = vector.shape_cast %add3A_325 : vector<16xi32> to vector<16xi32>
    tpu.vector_store %arg8[%swap3A_326], %swap3A_329 {strides = array<i32>} : memref<1024xi32, #tpu.memory_space<vmem>>, vector<16xi32>,
    %get3A_330 = arith.constant 336 : index
    %get3A_331 = tpu.vector_load %arg6[%get3A_330] {strides = array<i32>} : memref<1024xi32, #tpu.memory_space<vmem>>, vector<16xi32>,
    %get3A_332 = vector.shape_cast %get3A_331 : vector<16xi32> to vector<16xi32>
    %get3A_333 = arith.constant 336 : index
    %get3A_334 = tpu.vector_load %arg7[%get3A_333] {strides = array<i32>} : memref<1024xi32, #tpu.memory_space<vmem>>, vector<16xi32>,
    %get3A_335 = vector.shape_cast %get3A_334 : vector<16xi32> to vector<16xi32>
    %mul3A_336 = arith.constant 128 : i32
    %mul3A_337 = vector.broadcast %mul3A_336 : i32 to vector<16xi32>
    %mul3A_338 = arith.muli %get3A_332, %mul3A_337 : vector<16xi32>
    %add3A_339 = arith.addi %mul3A_338, %get3A_335 : vector<16xi32>
    %swap3A_340 = arith.constant 336 : index
    %swap3A_341 = tpu.vector_load %arg8[%swap3A_340] {strides = array<i32>} : memref<1024xi32, #tpu.memory_space<vmem>>, vector<16xi32>,
    %swap3A_342 = vector.shape_cast %swap3A_341 : vector<16xi32> to vector<16xi32>
    %swap3A_343 = vector.shape_cast %add3A_339 : vector<16xi32> to vector<16xi32>
    tpu.vector_store %arg8[%swap3A_340], %swap3A_343 {strides = array<i32>} : memref<1024xi32, #tpu.memory_space<vmem>>, vector<16xi32>,
    %get3A_344 = arith.constant 352 : index
    %get3A_345 = tpu.vector_load %arg6[%get3A_344] {strides = array<i32>} : memref<1024xi32, #tpu.memory_space<vmem>>, vector<16xi32>,
    %get3A_346 = vector.shape_cast %get3A_345 : vector<16xi32> to vector<16xi32>
    %get3A_347 = arith.constant 352 : index
    %get3A_348 = tpu.vector_load %arg7[%get3A_347] {strides = array<i32>} : memref<1024xi32, #tpu.memory_space<vmem>>, vector<16xi32>,
    %get3A_349 = vector.shape_cast %get3A_348 : vector<16xi32> to vector<16xi32>
    %mul3A_350 = arith.constant 128 : i32
    %mul3A_351 = vector.broadcast %mul3A_350 : i32 to vector<16xi32>
    %mul3A_352 = arith.muli %get3A_346, %mul3A_351 : vector<16xi32>
    %add3A_353 = arith.addi %mul3A_352, %get3A_349 : vector<16xi32>
    %swap3A_354 = arith.constant 352 : index
    %swap3A_355 = tpu.vector_load %arg8[%swap3A_354] {strides = array<i32>} : memref<1024xi32, #tpu.memory_space<vmem>>, vector<16xi32>,
    %swap3A_356 = vector.shape_cast %swap3A_355 : vector<16xi32> to vector<16xi32>
    %swap3A_357 = vector.shape_cast %add3A_353 : vector<16xi32> to vector<16xi32>
    tpu.vector_store %arg8[%swap3A_354], %swap3A_357 {strides = array<i32>} : memref<1024xi32, #tpu.memory_space<vmem>>, vector<16xi32>,
    %get3A_358 = arith.constant 368 : index
    %get3A_359 = tpu.vector_load %arg6[%get3A_358] {strides = array<i32>} : memref<1024xi32, #tpu.memory_space<vmem>>, vector<16xi32>,
    %get3A_360 = vector.shape_cast %get3A_359 : vector<16xi32> to vector<16xi32>
    %get3A_361 = arith.constant 368 : index
    %get3A_362 = tpu.vector_load %arg7[%get3A_361] {strides = array<i32>} : memref<1024xi32, #tpu.memory_space<vmem>>, vector<16xi32>,
    %get3A_363 = vector.shape_cast %get3A_362 : vector<16xi32> to vector<16xi32>
    %mul3A_364 = arith.constant 128 : i32
    %mul3A_365 = vector.broadcast %mul3A_364 : i32 to vector<16xi32>
    %mul3A_366 = arith.muli %get3A_360, %mul3A_365 : vector<16xi32>
    %add3A_367 = arith.addi %mul3A_366, %get3A_363 : vector<16xi32>
    %swap3A_368 = arith.constant 368 : index
    %swap3A_369 = tpu.vector_load %arg8[%swap3A_368] {strides = array<i32>} : memref<1024xi32, #tpu.memory_space<vmem>>, vector<16xi32>,
    %swap3A_370 = vector.shape_cast %swap3A_369 : vector<16xi32> to vector<16xi32>
    %swap3A_371 = vector.shape_cast %add3A_367 : vector<16xi32> to vector<16xi32>
    tpu.vector_store %arg8[%swap3A_368], %swap3A_371 {strides = array<i32>} : memref<1024xi32, #tpu.memory_space<vmem>>, vector<16xi32>,
    %get3A_372 = arith.constant 384 : index
    %get3A_373 = tpu.vector_load %arg6[%get3A_372] {strides = array<i32>} : memref<1024xi32, #tpu.memory_space<vmem>>, vector<16xi32>,
    %get3A_374 = vector.shape_cast %get3A_373 : vector<16xi32> to vector<16xi32>
    %get3A_375 = arith.constant 384 : index
    %get3A_376 = tpu.vector_load %arg7[%get3A_375] {strides = array<i32>} : memref<1024xi32, #tpu.memory_space<vmem>>, vector<16xi32>,
    %get3A_377 = vector.shape_cast %get3A_376 : vector<16xi32> to vector<16xi32>
    %mul3A_378 = arith.constant 128 : i32
    %mul3A_379 = vector.broadcast %mul3A_378 : i32 to vector<16xi32>
    %mul3A_380 = arith.muli %get3A_374, %mul3A_379 : vector<16xi32>
    %add3A_381 = arith.addi %mul3A_380, %get3A_377 : vector<16xi32>
    %swap3A_382 = arith.constant 384 : index
    %swap3A_383 = tpu.vector_load %arg8[%swap3A_382] {strides = array<i32>} : memref<1024xi32, #tpu.memory_space<vmem>>, vector<16xi32>,
    %swap3A_384 = vector.shape_cast %swap3A_383 : vector<16xi32> to vector<16xi32>
    %swap3A_385 = vector.shape_cast %add3A_381 : vector<16xi32> to vector<16xi32>
    tpu.vector_store %arg8[%swap3A_382], %swap3A_385 {strides = array<i32>} : memref<1024xi32, #tpu.memory_space<vmem>>, vector<16xi32>,
    %get3A_386 = arith.constant 400 : index
    %get3A_387 = tpu.vector_load %arg6[%get3A_386] {strides = array<i32>} : memref<1024xi32, #tpu.memory_space<vmem>>, vector<16xi32>,
    %get3A_388 = vector.shape_cast %get3A_387 : vector<16xi32> to vector<16xi32>
    %get3A_389 = arith.constant 400 : index
    %get3A_390 = tpu.vector_load %arg7[%get3A_389] {strides = array<i32>} : memref<1024xi32, #tpu.memory_space<vmem>>, vector<16xi32>,
    %get3A_391 = vector.shape_cast %get3A_390 : vector<16xi32> to vector<16xi32>
    %mul3A_392 = arith.constant 128 : i32
    %mul3A_393 = vector.broadcast %mul3A_392 : i32 to vector<16xi32>
    %mul3A_394 = arith.muli %get3A_388, %mul3A_393 : vector<16xi32>
    %add3A_395 = arith.addi %mul3A_394, %get3A_391 : vector<16xi32>
    %swap3A_396 = arith.constant 400 : index
    %swap3A_397 = tpu.vector_load %arg8[%swap3A_396] {strides = array<i32>} : memref<1024xi32, #tpu.memory_space<vmem>>, vector<16xi32>,
    %swap3A_398 = vector.shape_cast %swap3A_397 : vector<16xi32> to vector<16xi32>
    %swap3A_399 = vector.shape_cast %add3A_395 : vector<16xi32> to vector<16xi32>
    tpu.vector_store %arg8[%swap3A_396], %swap3A_399 {strides = array<i32>} : memref<1024xi32, #tpu.memory_space<vmem>>, vector<16xi32>,
    %get3A_400 = arith.constant 416 : index
    %get3A_401 = tpu.vector_load %arg6[%get3A_400] {strides = array<i32>} : memref<1024xi32, #tpu.memory_space<vmem>>, vector<16xi32>,
    %get3A_402 = vector.shape_cast %get3A_401 : vector<16xi32> to vector<16xi32>
    %get3A_403 = arith.constant 416 : index
    %get3A_404 = tpu.vector_load %arg7[%get3A_403] {strides = array<i32>} : memref<1024xi32, #tpu.memory_space<vmem>>, vector<16xi32>,
    %get3A_405 = vector.shape_cast %get3A_404 : vector<16xi32> to vector<16xi32>
    %mul3A_406 = arith.constant 128 : i32
    %mul3A_407 = vector.broadcast %mul3A_406 : i32 to vector<16xi32>
    %mul3A_408 = arith.muli %get3A_402, %mul3A_407 : vector<16xi32>
    %add3A_409 = arith.addi %mul3A_408, %get3A_405 : vector<16xi32>
    %swap3A_410 = arith.constant 416 : index
    %swap3A_411 = tpu.vector_load %arg8[%swap3A_410] {strides = array<i32>} : memref<1024xi32, #tpu.memory_space<vmem>>, vector<16xi32>,
    %swap3A_412 = vector.shape_cast %swap3A_411 : vector<16xi32> to vector<16xi32>
    %swap3A_413 = vector.shape_cast %add3A_409 : vector<16xi32> to vector<16xi32>
    tpu.vector_store %arg8[%swap3A_410], %swap3A_413 {strides = array<i32>} : memref<1024xi32, #tpu.memory_space<vmem>>, vector<16xi32>,
    %get3A_414 = arith.constant 432 : index
    %get3A_415 = tpu.vector_load %arg6[%get3A_414] {strides = array<i32>} : memref<1024xi32, #tpu.memory_space<vmem>>, vector<16xi32>,
    %get3A_416 = vector.shape_cast %get3A_415 : vector<16xi32> to vector<16xi32>
    %get3A_417 = arith.constant 432 : index
    %get3A_418 = tpu.vector_load %arg7[%get3A_417] {strides = array<i32>} : memref<1024xi32, #tpu.memory_space<vmem>>, vector<16xi32>,
    %get3A_419 = vector.shape_cast %get3A_418 : vector<16xi32> to vector<16xi32>
    %mul3A_420 = arith.constant 128 : i32
    %mul3A_421 = vector.broadcast %mul3A_420 : i32 to vector<16xi32>
    %mul3A_422 = arith.muli %get3A_416, %mul3A_421 : vector<16xi32>
    %add3A_423 = arith.addi %mul3A_422, %get3A_419 : vector<16xi32>
    %swap3A_424 = arith.constant 432 : index
    %swap3A_425 = tpu.vector_load %arg8[%swap3A_424] {strides = array<i32>} : memref<1024xi32, #tpu.memory_space<vmem>>, vector<16xi32>,
    %swap3A_426 = vector.shape_cast %swap3A_425 : vector<16xi32> to vector<16xi32>
    %swap3A_427 = vector.shape_cast %add3A_423 : vector<16xi32> to vector<16xi32>
    tpu.vector_store %arg8[%swap3A_424], %swap3A_427 {strides = array<i32>} : memref<1024xi32, #tpu.memory_space<vmem>>, vector<16xi32>,
    %get3A_428 = arith.constant 448 : index
    %get3A_429 = tpu.vector_load %arg6[%get3A_428] {strides = array<i32>} : memref<1024xi32, #tpu.memory_space<vmem>>, vector<16xi32>,
    %get3A_430 = vector.shape_cast %get3A_429 : vector<16xi32> to vector<16xi32>
    %get3A_431 = arith.constant 448 : index
    %get3A_432 = tpu.vector_load %arg7[%get3A_431] {strides = array<i32>} : memref<1024xi32, #tpu.memory_space<vmem>>, vector<16xi32>,
    %get3A_433 = vector.shape_cast %get3A_432 : vector<16xi32> to vector<16xi32>
    %mul3A_434 = arith.constant 128 : i32
    %mul3A_435 = vector.broadcast %mul3A_434 : i32 to vector<16xi32>
    %mul3A_436 = arith.muli %get3A_430, %mul3A_435 : vector<16xi32>
    %add3A_437 = arith.addi %mul3A_436, %get3A_433 : vector<16xi32>
    %swap3A_438 = arith.constant 448 : index
    %swap3A_439 = tpu.vector_load %arg8[%swap3A_438] {strides = array<i32>} : memref<1024xi32, #tpu.memory_space<vmem>>, vector<16xi32>,
    %swap3A_440 = vector.shape_cast %swap3A_439 : vector<16xi32> to vector<16xi32>
    %swap3A_441 = vector.shape_cast %add3A_437 : vector<16xi32> to vector<16xi32>
    tpu.vector_store %arg8[%swap3A_438], %swap3A_441 {strides = array<i32>} : memref<1024xi32, #tpu.memory_space<vmem>>, vector<16xi32>,
    %get3A_442 = arith.constant 464 : index
    %get3A_443 = tpu.vector_load %arg6[%get3A_442] {strides = array<i32>} : memref<1024xi32, #tpu.memory_space<vmem>>, vector<16xi32>,
    %get3A_444 = vector.shape_cast %get3A_443 : vector<16xi32> to vector<16xi32>
    %get3A_445 = arith.constant 464 : index
    %get3A_446 = tpu.vector_load %arg7[%get3A_445] {strides = array<i32>} : memref<1024xi32, #tpu.memory_space<vmem>>, vector<16xi32>,
    %get3A_447 = vector.shape_cast %get3A_446 : vector<16xi32> to vector<16xi32>
    %mul3A_448 = arith.constant 128 : i32
    %mul3A_449 = vector.broadcast %mul3A_448 : i32 to vector<16xi32>
    %mul3A_450 = arith.muli %get3A_444, %mul3A_449 : vector<16xi32>
    %add3A_451 = arith.addi %mul3A_450, %get3A_447 : vector<16xi32>
    %swap3A_452 = arith.constant 464 : index
    %swap3A_453 = tpu.vector_load %arg8[%swap3A_452] {strides = array<i32>} : memref<1024xi32, #tpu.memory_space<vmem>>, vector<16xi32>,
    %swap3A_454 = vector.shape_cast %swap3A_453 : vector<16xi32> to vector<16xi32>
    %swap3A_455 = vector.shape_cast %add3A_451 : vector<16xi32> to vector<16xi32>
    tpu.vector_store %arg8[%swap3A_452], %swap3A_455 {strides = array<i32>} : memref<1024xi32, #tpu.memory_space<vmem>>, vector<16xi32>,
    %get3A_456 = arith.constant 480 : index
    %get3A_457 = tpu.vector_load %arg6[%get3A_456] {strides = array<i32>} : memref<1024xi32, #tpu.memory_space<vmem>>, vector<16xi32>,
    %get3A_458 = vector.shape_cast %get3A_457 : vector<16xi32> to vector<16xi32>
    %get3A_459 = arith.constant 480 : index
    %get3A_460 = tpu.vector_load %arg7[%get3A_459] {strides = array<i32>} : memref<1024xi32, #tpu.memory_space<vmem>>, vector<16xi32>,
    %get3A_461 = vector.shape_cast %get3A_460 : vector<16xi32> to vector<16xi32>
    %mul3A_462 = arith.constant 128 : i32
    %mul3A_463 = vector.broadcast %mul3A_462 : i32 to vector<16xi32>
    %mul3A_464 = arith.muli %get3A_458, %mul3A_463 : vector<16xi32>
    %add3A_465 = arith.addi %mul3A_464, %get3A_461 : vector<16xi32>
    %swap3A_466 = arith.constant 480 : index
    %swap3A_467 = tpu.vector_load %arg8[%swap3A_466] {strides = array<i32>} : memref<1024xi32, #tpu.memory_space<vmem>>, vector<16xi32>,
    %swap3A_468 = vector.shape_cast %swap3A_467 : vector<16xi32> to vector<16xi32>
    %swap3A_469 = vector.shape_cast %add3A_465 : vector<16xi32> to vector<16xi32>
    tpu.vector_store %arg8[%swap3A_466], %swap3A_469 {strides = array<i32>} : memref<1024xi32, #tpu.memory_space<vmem>>, vector<16xi32>,
    %get3A_470 = arith.constant 496 : index
    %get3A_471 = tpu.vector_load %arg6[%get3A_470] {strides = array<i32>} : memref<1024xi32, #tpu.memory_space<vmem>>, vector<16xi32>,
    %get3A_472 = vector.shape_cast %get3A_471 : vector<16xi32> to vector<16xi32>
    %get3A_473 = arith.constant 496 : index
    %get3A_474 = tpu.vector_load %arg7[%get3A_473] {strides = array<i32>} : memref<1024xi32, #tpu.memory_space<vmem>>, vector<16xi32>,
    %get3A_475 = vector.shape_cast %get3A_474 : vector<16xi32> to vector<16xi32>
    %mul3A_476 = arith.constant 128 : i32
    %mul3A_477 = vector.broadcast %mul3A_476 : i32 to vector<16xi32>
    %mul3A_478 = arith.muli %get3A_472, %mul3A_477 : vector<16xi32>
    %add3A_479 = arith.addi %mul3A_478, %get3A_475 : vector<16xi32>
    %swap3A_480 = arith.constant 496 : index
    %swap3A_481 = tpu.vector_load %arg8[%swap3A_480] {strides = array<i32>} : memref<1024xi32, #tpu.memory_space<vmem>>, vector<16xi32>,
    %swap3A_482 = vector.shape_cast %swap3A_481 : vector<16xi32> to vector<16xi32>
    %swap3A_483 = vector.shape_cast %add3A_479 : vector<16xi32> to vector<16xi32>
    tpu.vector_store %arg8[%swap3A_480], %swap3A_483 {strides = array<i32>} : memref<1024xi32, #tpu.memory_space<vmem>>, vector<16xi32>,
    %dma_start3A_484 = arith.constant 0 : i32
    %dma_start3A_485 = tpu.memref_slice %arg9[%dma_start3A_484] : memref<1024xf32, #tpu.memory_space<vmem>> -> memref<512xf32, #tpu.memory_space<vmem>>
    %dma_start3A_486 = arith.constant 0 : i32
    %dma_start3A_487 = tpu.memref_slice %arg8[%dma_start3A_486] : memref<1024xi32, #tpu.memory_space<vmem>> -> memref<512xi32, #tpu.memory_space<vmem>>
    %dma_start3A_488 = arith.constant 0 : i32
    %dma_start3A_489 = tpu.memref_slice %arg4[%dma_start3A_488] : memref<12800000xf32, #tpu.memory_space<hbm>> -> memref<12800000xf32, #tpu.memory_space<hbm>>
    tpu.enqueue_indirect_dma source(%dma_start3A_489 : memref<12800000xf32, #tpu.memory_space<hbm>>) target(%dma_start3A_485 : memref<512xf32, #tpu.memory_space<vmem>>) offsets(%dma_start3A_487 : memref<512xi32, #tpu.memory_space<vmem>>) semaphore(%arg11 : memref<!tpu.dma_semaphore, #tpu.memory_space<semaphore_mem>>)
    %dma_wait3A_490 = arith.constant 512 : i32
    %dma_wait3A_491 = tpu.memref_slice %arg6[%dma_wait3A_490] : memref<1024xi32, #tpu.memory_space<vmem>> -> memref<512xi32, #tpu.memory_space<vmem>>
    %dma_wait3A_492 = tpu.memref_slice %arg2[%add3A_12] : memref<16384xi32, #tpu.memory_space<hbm>> -> memref<512xi32, #tpu.memory_space<hbm>>
    %dma_wait3A_493 = arith.constant 512 : i32
    %dma_wait3A_494 = tpu.memref_slice %arg6[%dma_wait3A_493] : memref<1024xi32, #tpu.memory_space<vmem>> -> memref<512xi32, #tpu.memory_space<vmem>>
    %dma_wait3A_495 = tpu.memref_slice %arg2[%add3A_12] : memref<16384xi32, #tpu.memory_space<hbm>> -> memref<512xi32, #tpu.memory_space<hbm>>
    tpu.wait_dma2 semaphore(%arg10 : memref<!tpu.dma_semaphore, #tpu.memory_space<semaphore_mem>>) src(%dma_wait3A_495 : memref<512xi32, #tpu.memory_space<hbm>>) dst(%dma_wait3A_494 : memref<512xi32, #tpu.memory_space<vmem>>)
    %dma_wait3A_496 = arith.constant 512 : i32
    %dma_wait3A_497 = tpu.memref_slice %arg7[%dma_wait3A_496] : memref<1024xi32, #tpu.memory_space<vmem>> -> memref<512xi32, #tpu.memory_space<vmem>>
    %dma_wait3A_498 = tpu.memref_slice %arg3[%add3A_20] : memref<16384xi32, #tpu.memory_space<hbm>> -> memref<512xi32, #tpu.memory_space<hbm>>
    %dma_wait3A_499 = arith.constant 512 : i32
    %dma_wait3A_500 = tpu.memref_slice %arg7[%dma_wait3A_499] : memref<1024xi32, #tpu.memory_space<vmem>> -> memref<512xi32, #tpu.memory_space<vmem>>
    %dma_wait3A_501 = tpu.memref_slice %arg3[%add3A_20] : memref<16384xi32, #tpu.memory_space<hbm>> -> memref<512xi32, #tpu.memory_space<hbm>>
    tpu.wait_dma2 semaphore(%arg10 : memref<!tpu.dma_semaphore, #tpu.memory_space<semaphore_mem>>) src(%dma_wait3A_501 : memref<512xi32, #tpu.memory_space<hbm>>) dst(%dma_wait3A_500 : memref<512xi32, #tpu.memory_space<vmem>>)
    %get3A_502 = arith.constant 512 : index
    %get3A_503 = tpu.vector_load %arg6[%get3A_502] {strides = array<i32>} : memref<1024xi32, #tpu.memory_space<vmem>>, vector<16xi32>,
    %get3A_504 = vector.shape_cast %get3A_503 : vector<16xi32> to vector<16xi32>
    %get3A_505 = arith.constant 512 : index
    %get3A_506 = tpu.vector_load %arg7[%get3A_505] {strides = array<i32>} : memref<1024xi32, #tpu.memory_space<vmem>>, vector<16xi32>,
    %get3A_507 = vector.shape_cast %get3A_506 : vector<16xi32> to vector<16xi32>
    %mul3A_508 = arith.constant 128 : i32
    %mul3A_509 = vector.broadcast %mul3A_508 : i32 to vector<16xi32>
    %mul3A_510 = arith.muli %get3A_504, %mul3A_509 : vector<16xi32>
    %add3A_511 = arith.addi %mul3A_510, %get3A_507 : vector<16xi32>
    %swap3A_512 = arith.constant 512 : index
    %swap3A_513 = tpu.vector_load %arg8[%swap3A_512] {strides = array<i32>} : memref<1024xi32, #tpu.memory_space<vmem>>, vector<16xi32>,
    %swap3A_514 = vector.shape_cast %swap3A_513 : vector<16xi32> to vector<16xi32>
    %swap3A_515 = vector.shape_cast %add3A_511 : vector<16xi32> to vector<16xi32>
    tpu.vector_store %arg8[%swap3A_512], %swap3A_515 {strides = array<i32>} : memref<1024xi32, #tpu.memory_space<vmem>>, vector<16xi32>,
    %get3A_516 = arith.constant 528 : index
    %get3A_517 = tpu.vector_load %arg6[%get3A_516] {strides = array<i32>} : memref<1024xi32, #tpu.memory_space<vmem>>, vector<16xi32>,
    %get3A_518 = vector.shape_cast %get3A_517 : vector<16xi32> to vector<16xi32>
    %get3A_519 = arith.constant 528 : index
    %get3A_520 = tpu.vector_load %arg7[%get3A_519] {strides = array<i32>} : memref<1024xi32, #tpu.memory_space<vmem>>, vector<16xi32>,
    %get3A_521 = vector.shape_cast %get3A_520 : vector<16xi32> to vector<16xi32>
    %mul3A_522 = arith.constant 128 : i32
    %mul3A_523 = vector.broadcast %mul3A_522 : i32 to vector<16xi32>
    %mul3A_524 = arith.muli %get3A_518, %mul3A_523 : vector<16xi32>
    %add3A_525 = arith.addi %mul3A_524, %get3A_521 : vector<16xi32>
    %swap3A_526 = arith.constant 528 : index
    %swap3A_527 = tpu.vector_load %arg8[%swap3A_526] {strides = array<i32>} : memref<1024xi32, #tpu.memory_space<vmem>>, vector<16xi32>,
    %swap3A_528 = vector.shape_cast %swap3A_527 : vector<16xi32> to vector<16xi32>
    %swap3A_529 = vector.shape_cast %add3A_525 : vector<16xi32> to vector<16xi32>
    tpu.vector_store %arg8[%swap3A_526], %swap3A_529 {strides = array<i32>} : memref<1024xi32, #tpu.memory_space<vmem>>, vector<16xi32>,
    %get3A_530 = arith.constant 544 : index
    %get3A_531 = tpu.vector_load %arg6[%get3A_530] {strides = array<i32>} : memref<1024xi32, #tpu.memory_space<vmem>>, vector<16xi32>,
    %get3A_532 = vector.shape_cast %get3A_531 : vector<16xi32> to vector<16xi32>
    %get3A_533 = arith.constant 544 : index
    %get3A_534 = tpu.vector_load %arg7[%get3A_533] {strides = array<i32>} : memref<1024xi32, #tpu.memory_space<vmem>>, vector<16xi32>,
    %get3A_535 = vector.shape_cast %get3A_534 : vector<16xi32> to vector<16xi32>
    %mul3A_536 = arith.constant 128 : i32
    %mul3A_537 = vector.broadcast %mul3A_536 : i32 to vector<16xi32>
    %mul3A_538 = arith.muli %get3A_532, %mul3A_537 : vector<16xi32>
    %add3A_539 = arith.addi %mul3A_538, %get3A_535 : vector<16xi32>
    %swap3A_540 = arith.constant 544 : index
    %swap3A_541 = tpu.vector_load %arg8[%swap3A_540] {strides = array<i32>} : memref<1024xi32, #tpu.memory_space<vmem>>, vector<16xi32>,
    %swap3A_542 = vector.shape_cast %swap3A_541 : vector<16xi32> to vector<16xi32>
    %swap3A_543 = vector.shape_cast %add3A_539 : vector<16xi32> to vector<16xi32>
    tpu.vector_store %arg8[%swap3A_540], %swap3A_543 {strides = array<i32>} : memref<1024xi32, #tpu.memory_space<vmem>>, vector<16xi32>,
    %get3A_544 = arith.constant 560 : index
    %get3A_545 = tpu.vector_load %arg6[%get3A_544] {strides = array<i32>} : memref<1024xi32, #tpu.memory_space<vmem>>, vector<16xi32>,
    %get3A_546 = vector.shape_cast %get3A_545 : vector<16xi32> to vector<16xi32>
    %get3A_547 = arith.constant 560 : index
    %get3A_548 = tpu.vector_load %arg7[%get3A_547] {strides = array<i32>} : memref<1024xi32, #tpu.memory_space<vmem>>, vector<16xi32>,
    %get3A_549 = vector.shape_cast %get3A_548 : vector<16xi32> to vector<16xi32>
    %mul3A_550 = arith.constant 128 : i32
    %mul3A_551 = vector.broadcast %mul3A_550 : i32 to vector<16xi32>
    %mul3A_552 = arith.muli %get3A_546, %mul3A_551 : vector<16xi32>
    %add3A_553 = arith.addi %mul3A_552, %get3A_549 : vector<16xi32>
    %swap3A_554 = arith.constant 560 : index
    %swap3A_555 = tpu.vector_load %arg8[%swap3A_554] {strides = array<i32>} : memref<1024xi32, #tpu.memory_space<vmem>>, vector<16xi32>,
    %swap3A_556 = vector.shape_cast %swap3A_555 : vector<16xi32> to vector<16xi32>
    %swap3A_557 = vector.shape_cast %add3A_553 : vector<16xi32> to vector<16xi32>
    tpu.vector_store %arg8[%swap3A_554], %swap3A_557 {strides = array<i32>} : memref<1024xi32, #tpu.memory_space<vmem>>, vector<16xi32>,
    %get3A_558 = arith.constant 576 : index
    %get3A_559 = tpu.vector_load %arg6[%get3A_558] {strides = array<i32>} : memref<1024xi32, #tpu.memory_space<vmem>>, vector<16xi32>,
    %get3A_560 = vector.shape_cast %get3A_559 : vector<16xi32> to vector<16xi32>
    %get3A_561 = arith.constant 576 : index
    %get3A_562 = tpu.vector_load %arg7[%get3A_561] {strides = array<i32>} : memref<1024xi32, #tpu.memory_space<vmem>>, vector<16xi32>,
    %get3A_563 = vector.shape_cast %get3A_562 : vector<16xi32> to vector<16xi32>
    %mul3A_564 = arith.constant 128 : i32
    %mul3A_565 = vector.broadcast %mul3A_564 : i32 to vector<16xi32>
    %mul3A_566 = arith.muli %get3A_560, %mul3A_565 : vector<16xi32>
    %add3A_567 = arith.addi %mul3A_566, %get3A_563 : vector<16xi32>
    %swap3A_568 = arith.constant 576 : index
    %swap3A_569 = tpu.vector_load %arg8[%swap3A_568] {strides = array<i32>} : memref<1024xi32, #tpu.memory_space<vmem>>, vector<16xi32>,
    %swap3A_570 = vector.shape_cast %swap3A_569 : vector<16xi32> to vector<16xi32>
    %swap3A_571 = vector.shape_cast %add3A_567 : vector<16xi32> to vector<16xi32>
    tpu.vector_store %arg8[%swap3A_568], %swap3A_571 {strides = array<i32>} : memref<1024xi32, #tpu.memory_space<vmem>>, vector<16xi32>,
    %get3A_572 = arith.constant 592 : index
    %get3A_573 = tpu.vector_load %arg6[%get3A_572] {strides = array<i32>} : memref<1024xi32, #tpu.memory_space<vmem>>, vector<16xi32>,
    %get3A_574 = vector.shape_cast %get3A_573 : vector<16xi32> to vector<16xi32>
    %get3A_575 = arith.constant 592 : index
    %get3A_576 = tpu.vector_load %arg7[%get3A_575] {strides = array<i32>} : memref<1024xi32, #tpu.memory_space<vmem>>, vector<16xi32>,
    %get3A_577 = vector.shape_cast %get3A_576 : vector<16xi32> to vector<16xi32>
    %mul3A_578 = arith.constant 128 : i32
    %mul3A_579 = vector.broadcast %mul3A_578 : i32 to vector<16xi32>
    %mul3A_580 = arith.muli %get3A_574, %mul3A_579 : vector<16xi32>
    %add3A_581 = arith.addi %mul3A_580, %get3A_577 : vector<16xi32>
    %swap3A_582 = arith.constant 592 : index
    %swap3A_583 = tpu.vector_load %arg8[%swap3A_582] {strides = array<i32>} : memref<1024xi32, #tpu.memory_space<vmem>>, vector<16xi32>,
    %swap3A_584 = vector.shape_cast %swap3A_583 : vector<16xi32> to vector<16xi32>
    %swap3A_585 = vector.shape_cast %add3A_581 : vector<16xi32> to vector<16xi32>
    tpu.vector_store %arg8[%swap3A_582], %swap3A_585 {strides = array<i32>} : memref<1024xi32, #tpu.memory_space<vmem>>, vector<16xi32>,
    %get3A_586 = arith.constant 608 : index
    %get3A_587 = tpu.vector_load %arg6[%get3A_586] {strides = array<i32>} : memref<1024xi32, #tpu.memory_space<vmem>>, vector<16xi32>,
    %get3A_588 = vector.shape_cast %get3A_587 : vector<16xi32> to vector<16xi32>
    %get3A_589 = arith.constant 608 : index
    %get3A_590 = tpu.vector_load %arg7[%get3A_589] {strides = array<i32>} : memref<1024xi32, #tpu.memory_space<vmem>>, vector<16xi32>,
    %get3A_591 = vector.shape_cast %get3A_590 : vector<16xi32> to vector<16xi32>
    %mul3A_592 = arith.constant 128 : i32
    %mul3A_593 = vector.broadcast %mul3A_592 : i32 to vector<16xi32>
    %mul3A_594 = arith.muli %get3A_588, %mul3A_593 : vector<16xi32>
    %add3A_595 = arith.addi %mul3A_594, %get3A_591 : vector<16xi32>
    %swap3A_596 = arith.constant 608 : index
    %swap3A_597 = tpu.vector_load %arg8[%swap3A_596] {strides = array<i32>} : memref<1024xi32, #tpu.memory_space<vmem>>, vector<16xi32>,
    %swap3A_598 = vector.shape_cast %swap3A_597 : vector<16xi32> to vector<16xi32>
    %swap3A_599 = vector.shape_cast %add3A_595 : vector<16xi32> to vector<16xi32>
    tpu.vector_store %arg8[%swap3A_596], %swap3A_599 {strides = array<i32>} : memref<1024xi32, #tpu.memory_space<vmem>>, vector<16xi32>,
    %get3A_600 = arith.constant 624 : index
    %get3A_601 = tpu.vector_load %arg6[%get3A_600] {strides = array<i32>} : memref<1024xi32, #tpu.memory_space<vmem>>, vector<16xi32>,
    %get3A_602 = vector.shape_cast %get3A_601 : vector<16xi32> to vector<16xi32>
    %get3A_603 = arith.constant 624 : index
    %get3A_604 = tpu.vector_load %arg7[%get3A_603] {strides = array<i32>} : memref<1024xi32, #tpu.memory_space<vmem>>, vector<16xi32>,
    %get3A_605 = vector.shape_cast %get3A_604 : vector<16xi32> to vector<16xi32>
    %mul3A_606 = arith.constant 128 : i32
    %mul3A_607 = vector.broadcast %mul3A_606 : i32 to vector<16xi32>
    %mul3A_608 = arith.muli %get3A_602, %mul3A_607 : vector<16xi32>
    %add3A_609 = arith.addi %mul3A_608, %get3A_605 : vector<16xi32>
    %swap3A_610 = arith.constant 624 : index
    %swap3A_611 = tpu.vector_load %arg8[%swap3A_610] {strides = array<i32>} : memref<1024xi32, #tpu.memory_space<vmem>>, vector<16xi32>,
    %swap3A_612 = vector.shape_cast %swap3A_611 : vector<16xi32> to vector<16xi32>
    %swap3A_613 = vector.shape_cast %add3A_609 : vector<16xi32> to vector<16xi32>
    tpu.vector_store %arg8[%swap3A_610], %swap3A_613 {strides = array<i32>} : memref<1024xi32, #tpu.memory_space<vmem>>, vector<16xi32>,
    %get3A_614 = arith.constant 640 : index
    %get3A_615 = tpu.vector_load %arg6[%get3A_614] {strides = array<i32>} : memref<1024xi32, #tpu.memory_space<vmem>>, vector<16xi32>,
    %get3A_616 = vector.shape_cast %get3A_615 : vector<16xi32> to vector<16xi32>
    %get3A_617 = arith.constant 640 : index
    %get3A_618 = tpu.vector_load %arg7[%get3A_617] {strides = array<i32>} : memref<1024xi32, #tpu.memory_space<vmem>>, vector<16xi32>,
    %get3A_619 = vector.shape_cast %get3A_618 : vector<16xi32> to vector<16xi32>
    %mul3A_620 = arith.constant 128 : i32
    %mul3A_621 = vector.broadcast %mul3A_620 : i32 to vector<16xi32>
    %mul3A_622 = arith.muli %get3A_616, %mul3A_621 : vector<16xi32>
    %add3A_623 = arith.addi %mul3A_622, %get3A_619 : vector<16xi32>
    %swap3A_624 = arith.constant 640 : index
    %swap3A_625 = tpu.vector_load %arg8[%swap3A_624] {strides = array<i32>} : memref<1024xi32, #tpu.memory_space<vmem>>, vector<16xi32>,
    %swap3A_626 = vector.shape_cast %swap3A_625 : vector<16xi32> to vector<16xi32>
    %swap3A_627 = vector.shape_cast %add3A_623 : vector<16xi32> to vector<16xi32>
    tpu.vector_store %arg8[%swap3A_624], %swap3A_627 {strides = array<i32>} : memref<1024xi32, #tpu.memory_space<vmem>>, vector<16xi32>,
    %get3A_628 = arith.constant 656 : index
    %get3A_629 = tpu.vector_load %arg6[%get3A_628] {strides = array<i32>} : memref<1024xi32, #tpu.memory_space<vmem>>, vector<16xi32>,
    %get3A_630 = vector.shape_cast %get3A_629 : vector<16xi32> to vector<16xi32>
    %get3A_631 = arith.constant 656 : index
    %get3A_632 = tpu.vector_load %arg7[%get3A_631] {strides = array<i32>} : memref<1024xi32, #tpu.memory_space<vmem>>, vector<16xi32>,
    %get3A_633 = vector.shape_cast %get3A_632 : vector<16xi32> to vector<16xi32>
    %mul3A_634 = arith.constant 128 : i32
    %mul3A_635 = vector.broadcast %mul3A_634 : i32 to vector<16xi32>
    %mul3A_636 = arith.muli %get3A_630, %mul3A_635 : vector<16xi32>
    %add3A_637 = arith.addi %mul3A_636, %get3A_633 : vector<16xi32>
    %swap3A_638 = arith.constant 656 : index
    %swap3A_639 = tpu.vector_load %arg8[%swap3A_638] {strides = array<i32>} : memref<1024xi32, #tpu.memory_space<vmem>>, vector<16xi32>,
    %swap3A_640 = vector.shape_cast %swap3A_639 : vector<16xi32> to vector<16xi32>
    %swap3A_641 = vector.shape_cast %add3A_637 : vector<16xi32> to vector<16xi32>
    tpu.vector_store %arg8[%swap3A_638], %swap3A_641 {strides = array<i32>} : memref<1024xi32, #tpu.memory_space<vmem>>, vector<16xi32>,
    %get3A_642 = arith.constant 672 : index
    %get3A_643 = tpu.vector_load %arg6[%get3A_642] {strides = array<i32>} : memref<1024xi32, #tpu.memory_space<vmem>>, vector<16xi32>,
    %get3A_644 = vector.shape_cast %get3A_643 : vector<16xi32> to vector<16xi32>
    %get3A_645 = arith.constant 672 : index
    %get3A_646 = tpu.vector_load %arg7[%get3A_645] {strides = array<i32>} : memref<1024xi32, #tpu.memory_space<vmem>>, vector<16xi32>,
    %get3A_647 = vector.shape_cast %get3A_646 : vector<16xi32> to vector<16xi32>
    %mul3A_648 = arith.constant 128 : i32
    %mul3A_649 = vector.broadcast %mul3A_648 : i32 to vector<16xi32>
    %mul3A_650 = arith.muli %get3A_644, %mul3A_649 : vector<16xi32>
    %add3A_651 = arith.addi %mul3A_650, %get3A_647 : vector<16xi32>
    %swap3A_652 = arith.constant 672 : index
    %swap3A_653 = tpu.vector_load %arg8[%swap3A_652] {strides = array<i32>} : memref<1024xi32, #tpu.memory_space<vmem>>, vector<16xi32>,
    %swap3A_654 = vector.shape_cast %swap3A_653 : vector<16xi32> to vector<16xi32>
    %swap3A_655 = vector.shape_cast %add3A_651 : vector<16xi32> to vector<16xi32>
    tpu.vector_store %arg8[%swap3A_652], %swap3A_655 {strides = array<i32>} : memref<1024xi32, #tpu.memory_space<vmem>>, vector<16xi32>,
    %get3A_656 = arith.constant 688 : index
    %get3A_657 = tpu.vector_load %arg6[%get3A_656] {strides = array<i32>} : memref<1024xi32, #tpu.memory_space<vmem>>, vector<16xi32>,
    %get3A_658 = vector.shape_cast %get3A_657 : vector<16xi32> to vector<16xi32>
    %get3A_659 = arith.constant 688 : index
    %get3A_660 = tpu.vector_load %arg7[%get3A_659] {strides = array<i32>} : memref<1024xi32, #tpu.memory_space<vmem>>, vector<16xi32>,
    %get3A_661 = vector.shape_cast %get3A_660 : vector<16xi32> to vector<16xi32>
    %mul3A_662 = arith.constant 128 : i32
    %mul3A_663 = vector.broadcast %mul3A_662 : i32 to vector<16xi32>
    %mul3A_664 = arith.muli %get3A_658, %mul3A_663 : vector<16xi32>
    %add3A_665 = arith.addi %mul3A_664, %get3A_661 : vector<16xi32>
    %swap3A_666 = arith.constant 688 : index
    %swap3A_667 = tpu.vector_load %arg8[%swap3A_666] {strides = array<i32>} : memref<1024xi32, #tpu.memory_space<vmem>>, vector<16xi32>,
    %swap3A_668 = vector.shape_cast %swap3A_667 : vector<16xi32> to vector<16xi32>
    %swap3A_669 = vector.shape_cast %add3A_665 : vector<16xi32> to vector<16xi32>
    tpu.vector_store %arg8[%swap3A_666], %swap3A_669 {strides = array<i32>} : memref<1024xi32, #tpu.memory_space<vmem>>, vector<16xi32>,
    %get3A_670 = arith.constant 704 : index
    %get3A_671 = tpu.vector_load %arg6[%get3A_670] {strides = array<i32>} : memref<1024xi32, #tpu.memory_space<vmem>>, vector<16xi32>,
    %get3A_672 = vector.shape_cast %get3A_671 : vector<16xi32> to vector<16xi32>
    %get3A_673 = arith.constant 704 : index
    %get3A_674 = tpu.vector_load %arg7[%get3A_673] {strides = array<i32>} : memref<1024xi32, #tpu.memory_space<vmem>>, vector<16xi32>,
    %get3A_675 = vector.shape_cast %get3A_674 : vector<16xi32> to vector<16xi32>
    %mul3A_676 = arith.constant 128 : i32
    %mul3A_677 = vector.broadcast %mul3A_676 : i32 to vector<16xi32>
    %mul3A_678 = arith.muli %get3A_672, %mul3A_677 : vector<16xi32>
    %add3A_679 = arith.addi %mul3A_678, %get3A_675 : vector<16xi32>
    %swap3A_680 = arith.constant 704 : index
    %swap3A_681 = tpu.vector_load %arg8[%swap3A_680] {strides = array<i32>} : memref<1024xi32, #tpu.memory_space<vmem>>, vector<16xi32>,
    %swap3A_682 = vector.shape_cast %swap3A_681 : vector<16xi32> to vector<16xi32>
    %swap3A_683 = vector.shape_cast %add3A_679 : vector<16xi32> to vector<16xi32>
    tpu.vector_store %arg8[%swap3A_680], %swap3A_683 {strides = array<i32>} : memref<1024xi32, #tpu.memory_space<vmem>>, vector<16xi32>,
    %get3A_684 = arith.constant 720 : index
    %get3A_685 = tpu.vector_load %arg6[%get3A_684] {strides = array<i32>} : memref<1024xi32, #tpu.memory_space<vmem>>, vector<16xi32>,
    %get3A_686 = vector.shape_cast %get3A_685 : vector<16xi32> to vector<16xi32>
    %get3A_687 = arith.constant 720 : index
    %get3A_688 = tpu.vector_load %arg7[%get3A_687] {strides = array<i32>} : memref<1024xi32, #tpu.memory_space<vmem>>, vector<16xi32>,
    %get3A_689 = vector.shape_cast %get3A_688 : vector<16xi32> to vector<16xi32>
    %mul3A_690 = arith.constant 128 : i32
    %mul3A_691 = vector.broadcast %mul3A_690 : i32 to vector<16xi32>
    %mul3A_692 = arith.muli %get3A_686, %mul3A_691 : vector<16xi32>
    %add3A_693 = arith.addi %mul3A_692, %get3A_689 : vector<16xi32>
    %swap3A_694 = arith.constant 720 : index
    %swap3A_695 = tpu.vector_load %arg8[%swap3A_694] {strides = array<i32>} : memref<1024xi32, #tpu.memory_space<vmem>>, vector<16xi32>,
    %swap3A_696 = vector.shape_cast %swap3A_695 : vector<16xi32> to vector<16xi32>
    %swap3A_697 = vector.shape_cast %add3A_693 : vector<16xi32> to vector<16xi32>
    tpu.vector_store %arg8[%swap3A_694], %swap3A_697 {strides = array<i32>} : memref<1024xi32, #tpu.memory_space<vmem>>, vector<16xi32>,
    %get3A_698 = arith.constant 736 : index
    %get3A_699 = tpu.vector_load %arg6[%get3A_698] {strides = array<i32>} : memref<1024xi32, #tpu.memory_space<vmem>>, vector<16xi32>,
    %get3A_700 = vector.shape_cast %get3A_699 : vector<16xi32> to vector<16xi32>
    %get3A_701 = arith.constant 736 : index
    %get3A_702 = tpu.vector_load %arg7[%get3A_701] {strides = array<i32>} : memref<1024xi32, #tpu.memory_space<vmem>>, vector<16xi32>,
    %get3A_703 = vector.shape_cast %get3A_702 : vector<16xi32> to vector<16xi32>
    %mul3A_704 = arith.constant 128 : i32
    %mul3A_705 = vector.broadcast %mul3A_704 : i32 to vector<16xi32>
    %mul3A_706 = arith.muli %get3A_700, %mul3A_705 : vector<16xi32>
    %add3A_707 = arith.addi %mul3A_706, %get3A_703 : vector<16xi32>
    %swap3A_708 = arith.constant 736 : index
    %swap3A_709 = tpu.vector_load %arg8[%swap3A_708] {strides = array<i32>} : memref<1024xi32, #tpu.memory_space<vmem>>, vector<16xi32>,
    %swap3A_710 = vector.shape_cast %swap3A_709 : vector<16xi32> to vector<16xi32>
    %swap3A_711 = vector.shape_cast %add3A_707 : vector<16xi32> to vector<16xi32>
    tpu.vector_store %arg8[%swap3A_708], %swap3A_711 {strides = array<i32>} : memref<1024xi32, #tpu.memory_space<vmem>>, vector<16xi32>,
    %get3A_712 = arith.constant 752 : index
    %get3A_713 = tpu.vector_load %arg6[%get3A_712] {strides = array<i32>} : memref<1024xi32, #tpu.memory_space<vmem>>, vector<16xi32>,
    %get3A_714 = vector.shape_cast %get3A_713 : vector<16xi32> to vector<16xi32>
    %get3A_715 = arith.constant 752 : index
    %get3A_716 = tpu.vector_load %arg7[%get3A_715] {strides = array<i32>} : memref<1024xi32, #tpu.memory_space<vmem>>, vector<16xi32>,
    %get3A_717 = vector.shape_cast %get3A_716 : vector<16xi32> to vector<16xi32>
    %mul3A_718 = arith.constant 128 : i32
    %mul3A_719 = vector.broadcast %mul3A_718 : i32 to vector<16xi32>
    %mul3A_720 = arith.muli %get3A_714, %mul3A_719 : vector<16xi32>
    %add3A_721 = arith.addi %mul3A_720, %get3A_717 : vector<16xi32>
    %swap3A_722 = arith.constant 752 : index
    %swap3A_723 = tpu.vector_load %arg8[%swap3A_722] {strides = array<i32>} : memref<1024xi32, #tpu.memory_space<vmem>>, vector<16xi32>,
    %swap3A_724 = vector.shape_cast %swap3A_723 : vector<16xi32> to vector<16xi32>
    %swap3A_725 = vector.shape_cast %add3A_721 : vector<16xi32> to vector<16xi32>
    tpu.vector_store %arg8[%swap3A_722], %swap3A_725 {strides = array<i32>} : memref<1024xi32, #tpu.memory_space<vmem>>, vector<16xi32>,
    %get3A_726 = arith.constant 768 : index
    %get3A_727 = tpu.vector_load %arg6[%get3A_726] {strides = array<i32>} : memref<1024xi32, #tpu.memory_space<vmem>>, vector<16xi32>,
    %get3A_728 = vector.shape_cast %get3A_727 : vector<16xi32> to vector<16xi32>
    %get3A_729 = arith.constant 768 : index
    %get3A_730 = tpu.vector_load %arg7[%get3A_729] {strides = array<i32>} : memref<1024xi32, #tpu.memory_space<vmem>>, vector<16xi32>,
    %get3A_731 = vector.shape_cast %get3A_730 : vector<16xi32> to vector<16xi32>
    %mul3A_732 = arith.constant 128 : i32
    %mul3A_733 = vector.broadcast %mul3A_732 : i32 to vector<16xi32>
    %mul3A_734 = arith.muli %get3A_728, %mul3A_733 : vector<16xi32>
    %add3A_735 = arith.addi %mul3A_734, %get3A_731 : vector<16xi32>
    %swap3A_736 = arith.constant 768 : index
    %swap3A_737 = tpu.vector_load %arg8[%swap3A_736] {strides = array<i32>} : memref<1024xi32, #tpu.memory_space<vmem>>, vector<16xi32>,
    %swap3A_738 = vector.shape_cast %swap3A_737 : vector<16xi32> to vector<16xi32>
    %swap3A_739 = vector.shape_cast %add3A_735 : vector<16xi32> to vector<16xi32>
    tpu.vector_store %arg8[%swap3A_736], %swap3A_739 {strides = array<i32>} : memref<1024xi32, #tpu.memory_space<vmem>>, vector<16xi32>,
    %get3A_740 = arith.constant 784 : index
    %get3A_741 = tpu.vector_load %arg6[%get3A_740] {strides = array<i32>} : memref<1024xi32, #tpu.memory_space<vmem>>, vector<16xi32>,
    %get3A_742 = vector.shape_cast %get3A_741 : vector<16xi32> to vector<16xi32>
    %get3A_743 = arith.constant 784 : index
    %get3A_744 = tpu.vector_load %arg7[%get3A_743] {strides = array<i32>} : memref<1024xi32, #tpu.memory_space<vmem>>, vector<16xi32>,
    %get3A_745 = vector.shape_cast %get3A_744 : vector<16xi32> to vector<16xi32>
    %mul3A_746 = arith.constant 128 : i32
    %mul3A_747 = vector.broadcast %mul3A_746 : i32 to vector<16xi32>
    %mul3A_748 = arith.muli %get3A_742, %mul3A_747 : vector<16xi32>
    %add3A_749 = arith.addi %mul3A_748, %get3A_745 : vector<16xi32>
    %swap3A_750 = arith.constant 784 : index
    %swap3A_751 = tpu.vector_load %arg8[%swap3A_750] {strides = array<i32>} : memref<1024xi32, #tpu.memory_space<vmem>>, vector<16xi32>,
    %swap3A_752 = vector.shape_cast %swap3A_751 : vector<16xi32> to vector<16xi32>
    %swap3A_753 = vector.shape_cast %add3A_749 : vector<16xi32> to vector<16xi32>
    tpu.vector_store %arg8[%swap3A_750], %swap3A_753 {strides = array<i32>} : memref<1024xi32, #tpu.memory_space<vmem>>, vector<16xi32>,
    %get3A_754 = arith.constant 800 : index
    %get3A_755 = tpu.vector_load %arg6[%get3A_754] {strides = array<i32>} : memref<1024xi32, #tpu.memory_space<vmem>>, vector<16xi32>,
    %get3A_756 = vector.shape_cast %get3A_755 : vector<16xi32> to vector<16xi32>
    %get3A_757 = arith.constant 800 : index
    %get3A_758 = tpu.vector_load %arg7[%get3A_757] {strides = array<i32>} : memref<1024xi32, #tpu.memory_space<vmem>>, vector<16xi32>,
    %get3A_759 = vector.shape_cast %get3A_758 : vector<16xi32> to vector<16xi32>
    %mul3A_760 = arith.constant 128 : i32
    %mul3A_761 = vector.broadcast %mul3A_760 : i32 to vector<16xi32>
    %mul3A_762 = arith.muli %get3A_756, %mul3A_761 : vector<16xi32>
    %add3A_763 = arith.addi %mul3A_762, %get3A_759 : vector<16xi32>
    %swap3A_764 = arith.constant 800 : index
    %swap3A_765 = tpu.vector_load %arg8[%swap3A_764] {strides = array<i32>} : memref<1024xi32, #tpu.memory_space<vmem>>, vector<16xi32>,
    %swap3A_766 = vector.shape_cast %swap3A_765 : vector<16xi32> to vector<16xi32>
    %swap3A_767 = vector.shape_cast %add3A_763 : vector<16xi32> to vector<16xi32>
    tpu.vector_store %arg8[%swap3A_764], %swap3A_767 {strides = array<i32>} : memref<1024xi32, #tpu.memory_space<vmem>>, vector<16xi32>,
    %get3A_768 = arith.constant 816 : index
    %get3A_769 = tpu.vector_load %arg6[%get3A_768] {strides = array<i32>} : memref<1024xi32, #tpu.memory_space<vmem>>, vector<16xi32>,
    %get3A_770 = vector.shape_cast %get3A_769 : vector<16xi32> to vector<16xi32>
    %get3A_771 = arith.constant 816 : index
    %get3A_772 = tpu.vector_load %arg7[%get3A_771] {strides = array<i32>} : memref<1024xi32, #tpu.memory_space<vmem>>, vector<16xi32>,
    %get3A_773 = vector.shape_cast %get3A_772 : vector<16xi32> to vector<16xi32>
    %mul3A_774 = arith.constant 128 : i32
    %mul3A_775 = vector.broadcast %mul3A_774 : i32 to vector<16xi32>
    %mul3A_776 = arith.muli %get3A_770, %mul3A_775 : vector<16xi32>
    %add3A_777 = arith.addi %mul3A_776, %get3A_773 : vector<16xi32>
    %swap3A_778 = arith.constant 816 : index
    %swap3A_779 = tpu.vector_load %arg8[%swap3A_778] {strides = array<i32>} : memref<1024xi32, #tpu.memory_space<vmem>>, vector<16xi32>,
    %swap3A_780 = vector.shape_cast %swap3A_779 : vector<16xi32> to vector<16xi32>
    %swap3A_781 = vector.shape_cast %add3A_777 : vector<16xi32> to vector<16xi32>
    tpu.vector_store %arg8[%swap3A_778], %swap3A_781 {strides = array<i32>} : memref<1024xi32, #tpu.memory_space<vmem>>, vector<16xi32>,
    %get3A_782 = arith.constant 832 : index
    %get3A_783 = tpu.vector_load %arg6[%get3A_782] {strides = array<i32>} : memref<1024xi32, #tpu.memory_space<vmem>>, vector<16xi32>,
    %get3A_784 = vector.shape_cast %get3A_783 : vector<16xi32> to vector<16xi32>
    %get3A_785 = arith.constant 832 : index
    %get3A_786 = tpu.vector_load %arg7[%get3A_785] {strides = array<i32>} : memref<1024xi32, #tpu.memory_space<vmem>>, vector<16xi32>,
    %get3A_787 = vector.shape_cast %get3A_786 : vector<16xi32> to vector<16xi32>
    %mul3A_788 = arith.constant 128 : i32
    %mul3A_789 = vector.broadcast %mul3A_788 : i32 to vector<16xi32>
    %mul3A_790 = arith.muli %get3A_784, %mul3A_789 : vector<16xi32>
    %add3A_791 = arith.addi %mul3A_790, %get3A_787 : vector<16xi32>
    %swap3A_792 = arith.constant 832 : index
    %swap3A_793 = tpu.vector_load %arg8[%swap3A_792] {strides = array<i32>} : memref<1024xi32, #tpu.memory_space<vmem>>, vector<16xi32>,
    %swap3A_794 = vector.shape_cast %swap3A_793 : vector<16xi32> to vector<16xi32>
    %swap3A_795 = vector.shape_cast %add3A_791 : vector<16xi32> to vector<16xi32>
    tpu.vector_store %arg8[%swap3A_792], %swap3A_795 {strides = array<i32>} : memref<1024xi32, #tpu.memory_space<vmem>>, vector<16xi32>,
    %get3A_796 = arith.constant 848 : index
    %get3A_797 = tpu.vector_load %arg6[%get3A_796] {strides = array<i32>} : memref<1024xi32, #tpu.memory_space<vmem>>, vector<16xi32>,
    %get3A_798 = vector.shape_cast %get3A_797 : vector<16xi32> to vector<16xi32>
    %get3A_799 = arith.constant 848 : index
    %get3A_800 = tpu.vector_load %arg7[%get3A_799] {strides = array<i32>} : memref<1024xi32, #tpu.memory_space<vmem>>, vector<16xi32>,
    %get3A_801 = vector.shape_cast %get3A_800 : vector<16xi32> to vector<16xi32>
    %mul3A_802 = arith.constant 128 : i32
    %mul3A_803 = vector.broadcast %mul3A_802 : i32 to vector<16xi32>
    %mul3A_804 = arith.muli %get3A_798, %mul3A_803 : vector<16xi32>
    %add3A_805 = arith.addi %mul3A_804, %get3A_801 : vector<16xi32>
    %swap3A_806 = arith.constant 848 : index
    %swap3A_807 = tpu.vector_load %arg8[%swap3A_806] {strides = array<i32>} : memref<1024xi32, #tpu.memory_space<vmem>>, vector<16xi32>,
    %swap3A_808 = vector.shape_cast %swap3A_807 : vector<16xi32> to vector<16xi32>
    %swap3A_809 = vector.shape_cast %add3A_805 : vector<16xi32> to vector<16xi32>
    tpu.vector_store %arg8[%swap3A_806], %swap3A_809 {strides = array<i32>} : memref<1024xi32, #tpu.memory_space<vmem>>, vector<16xi32>,
    %get3A_810 = arith.constant 864 : index
    %get3A_811 = tpu.vector_load %arg6[%get3A_810] {strides = array<i32>} : memref<1024xi32, #tpu.memory_space<vmem>>, vector<16xi32>,
    %get3A_812 = vector.shape_cast %get3A_811 : vector<16xi32> to vector<16xi32>
    %get3A_813 = arith.constant 864 : index
    %get3A_814 = tpu.vector_load %arg7[%get3A_813] {strides = array<i32>} : memref<1024xi32, #tpu.memory_space<vmem>>, vector<16xi32>,
    %get3A_815 = vector.shape_cast %get3A_814 : vector<16xi32> to vector<16xi32>
    %mul3A_816 = arith.constant 128 : i32
    %mul3A_817 = vector.broadcast %mul3A_816 : i32 to vector<16xi32>
    %mul3A_818 = arith.muli %get3A_812, %mul3A_817 : vector<16xi32>
    %add3A_819 = arith.addi %mul3A_818, %get3A_815 : vector<16xi32>
    %swap3A_820 = arith.constant 864 : index
    %swap3A_821 = tpu.vector_load %arg8[%swap3A_820] {strides = array<i32>} : memref<1024xi32, #tpu.memory_space<vmem>>, vector<16xi32>,
    %swap3A_822 = vector.shape_cast %swap3A_821 : vector<16xi32> to vector<16xi32>
    %swap3A_823 = vector.shape_cast %add3A_819 : vector<16xi32> to vector<16xi32>
    tpu.vector_store %arg8[%swap3A_820], %swap3A_823 {strides = array<i32>} : memref<1024xi32, #tpu.memory_space<vmem>>, vector<16xi32>,
    %get3A_824 = arith.constant 880 : index
    %get3A_825 = tpu.vector_load %arg6[%get3A_824] {strides = array<i32>} : memref<1024xi32, #tpu.memory_space<vmem>>, vector<16xi32>,
    %get3A_826 = vector.shape_cast %get3A_825 : vector<16xi32> to vector<16xi32>
    %get3A_827 = arith.constant 880 : index
    %get3A_828 = tpu.vector_load %arg7[%get3A_827] {strides = array<i32>} : memref<1024xi32, #tpu.memory_space<vmem>>, vector<16xi32>,
    %get3A_829 = vector.shape_cast %get3A_828 : vector<16xi32> to vector<16xi32>
    %mul3A_830 = arith.constant 128 : i32
    %mul3A_831 = vector.broadcast %mul3A_830 : i32 to vector<16xi32>
    %mul3A_832 = arith.muli %get3A_826, %mul3A_831 : vector<16xi32>
    %add3A_833 = arith.addi %mul3A_832, %get3A_829 : vector<16xi32>
    %swap3A_834 = arith.constant 880 : index
    %swap3A_835 = tpu.vector_load %arg8[%swap3A_834] {strides = array<i32>} : memref<1024xi32, #tpu.memory_space<vmem>>, vector<16xi32>,
    %swap3A_836 = vector.shape_cast %swap3A_835 : vector<16xi32> to vector<16xi32>
    %swap3A_837 = vector.shape_cast %add3A_833 : vector<16xi32> to vector<16xi32>
    tpu.vector_store %arg8[%swap3A_834], %swap3A_837 {strides = array<i32>} : memref<1024xi32, #tpu.memory_space<vmem>>, vector<16xi32>,
    %get3A_838 = arith.constant 896 : index
    %get3A_839 = tpu.vector_load %arg6[%get3A_838] {strides = array<i32>} : memref<1024xi32, #tpu.memory_space<vmem>>, vector<16xi32>,
    %get3A_840 = vector.shape_cast %get3A_839 : vector<16xi32> to vector<16xi32>
    %get3A_841 = arith.constant 896 : index
    %get3A_842 = tpu.vector_load %arg7[%get3A_841] {strides = array<i32>} : memref<1024xi32, #tpu.memory_space<vmem>>, vector<16xi32>,
    %get3A_843 = vector.shape_cast %get3A_842 : vector<16xi32> to vector<16xi32>
    %mul3A_844 = arith.constant 128 : i32
    %mul3A_845 = vector.broadcast %mul3A_844 : i32 to vector<16xi32>
    %mul3A_846 = arith.muli %get3A_840, %mul3A_845 : vector<16xi32>
    %add3A_847 = arith.addi %mul3A_846, %get3A_843 : vector<16xi32>
    %swap3A_848 = arith.constant 896 : index
    %swap3A_849 = tpu.vector_load %arg8[%swap3A_848] {strides = array<i32>} : memref<1024xi32, #tpu.memory_space<vmem>>, vector<16xi32>,
    %swap3A_850 = vector.shape_cast %swap3A_849 : vector<16xi32> to vector<16xi32>
    %swap3A_851 = vector.shape_cast %add3A_847 : vector<16xi32> to vector<16xi32>
    tpu.vector_store %arg8[%swap3A_848], %swap3A_851 {strides = array<i32>} : memref<1024xi32, #tpu.memory_space<vmem>>, vector<16xi32>,
    %get3A_852 = arith.constant 912 : index
    %get3A_853 = tpu.vector_load %arg6[%get3A_852] {strides = array<i32>} : memref<1024xi32, #tpu.memory_space<vmem>>, vector<16xi32>,
    %get3A_854 = vector.shape_cast %get3A_853 : vector<16xi32> to vector<16xi32>
    %get3A_855 = arith.constant 912 : index
    %get3A_856 = tpu.vector_load %arg7[%get3A_855] {strides = array<i32>} : memref<1024xi32, #tpu.memory_space<vmem>>, vector<16xi32>,
    %get3A_857 = vector.shape_cast %get3A_856 : vector<16xi32> to vector<16xi32>
    %mul3A_858 = arith.constant 128 : i32
    %mul3A_859 = vector.broadcast %mul3A_858 : i32 to vector<16xi32>
    %mul3A_860 = arith.muli %get3A_854, %mul3A_859 : vector<16xi32>
    %add3A_861 = arith.addi %mul3A_860, %get3A_857 : vector<16xi32>
    %swap3A_862 = arith.constant 912 : index
    %swap3A_863 = tpu.vector_load %arg8[%swap3A_862] {strides = array<i32>} : memref<1024xi32, #tpu.memory_space<vmem>>, vector<16xi32>,
    %swap3A_864 = vector.shape_cast %swap3A_863 : vector<16xi32> to vector<16xi32>
    %swap3A_865 = vector.shape_cast %add3A_861 : vector<16xi32> to vector<16xi32>
    tpu.vector_store %arg8[%swap3A_862], %swap3A_865 {strides = array<i32>} : memref<1024xi32, #tpu.memory_space<vmem>>, vector<16xi32>,
    %get3A_866 = arith.constant 928 : index
    %get3A_867 = tpu.vector_load %arg6[%get3A_866] {strides = array<i32>} : memref<1024xi32, #tpu.memory_space<vmem>>, vector<16xi32>,
    %get3A_868 = vector.shape_cast %get3A_867 : vector<16xi32> to vector<16xi32>
    %get3A_869 = arith.constant 928 : index
    %get3A_870 = tpu.vector_load %arg7[%get3A_869] {strides = array<i32>} : memref<1024xi32, #tpu.memory_space<vmem>>, vector<16xi32>,
    %get3A_871 = vector.shape_cast %get3A_870 : vector<16xi32> to vector<16xi32>
    %mul3A_872 = arith.constant 128 : i32
    %mul3A_873 = vector.broadcast %mul3A_872 : i32 to vector<16xi32>
    %mul3A_874 = arith.muli %get3A_868, %mul3A_873 : vector<16xi32>
    %add3A_875 = arith.addi %mul3A_874, %get3A_871 : vector<16xi32>
    %swap3A_876 = arith.constant 928 : index
    %swap3A_877 = tpu.vector_load %arg8[%swap3A_876] {strides = array<i32>} : memref<1024xi32, #tpu.memory_space<vmem>>, vector<16xi32>,
    %swap3A_878 = vector.shape_cast %swap3A_877 : vector<16xi32> to vector<16xi32>
    %swap3A_879 = vector.shape_cast %add3A_875 : vector<16xi32> to vector<16xi32>
    tpu.vector_store %arg8[%swap3A_876], %swap3A_879 {strides = array<i32>} : memref<1024xi32, #tpu.memory_space<vmem>>, vector<16xi32>,
    %get3A_880 = arith.constant 944 : index
    %get3A_881 = tpu.vector_load %arg6[%get3A_880] {strides = array<i32>} : memref<1024xi32, #tpu.memory_space<vmem>>, vector<16xi32>,
    %get3A_882 = vector.shape_cast %get3A_881 : vector<16xi32> to vector<16xi32>
    %get3A_883 = arith.constant 944 : index
    %get3A_884 = tpu.vector_load %arg7[%get3A_883] {strides = array<i32>} : memref<1024xi32, #tpu.memory_space<vmem>>, vector<16xi32>,
    %get3A_885 = vector.shape_cast %get3A_884 : vector<16xi32> to vector<16xi32>
    %mul3A_886 = arith.constant 128 : i32
    %mul3A_887 = vector.broadcast %mul3A_886 : i32 to vector<16xi32>
    %mul3A_888 = arith.muli %get3A_882, %mul3A_887 : vector<16xi32>
    %add3A_889 = arith.addi %mul3A_888, %get3A_885 : vector<16xi32>
    %swap3A_890 = arith.constant 944 : index
    %swap3A_891 = tpu.vector_load %arg8[%swap3A_890] {strides = array<i32>} : memref<1024xi32, #tpu.memory_space<vmem>>, vector<16xi32>,
    %swap3A_892 = vector.shape_cast %swap3A_891 : vector<16xi32> to vector<16xi32>
    %swap3A_893 = vector.shape_cast %add3A_889 : vector<16xi32> to vector<16xi32>
    tpu.vector_store %arg8[%swap3A_890], %swap3A_893 {strides = array<i32>} : memref<1024xi32, #tpu.memory_space<vmem>>, vector<16xi32>,
    %get3A_894 = arith.constant 960 : index
    %get3A_895 = tpu.vector_load %arg6[%get3A_894] {strides = array<i32>} : memref<1024xi32, #tpu.memory_space<vmem>>, vector<16xi32>,
    %get3A_896 = vector.shape_cast %get3A_895 : vector<16xi32> to vector<16xi32>
    %get3A_897 = arith.constant 960 : index
    %get3A_898 = tpu.vector_load %arg7[%get3A_897] {strides = array<i32>} : memref<1024xi32, #tpu.memory_space<vmem>>, vector<16xi32>,
    %get3A_899 = vector.shape_cast %get3A_898 : vector<16xi32> to vector<16xi32>
    %mul3A_900 = arith.constant 128 : i32
    %mul3A_901 = vector.broadcast %mul3A_900 : i32 to vector<16xi32>
    %mul3A_902 = arith.muli %get3A_896, %mul3A_901 : vector<16xi32>
    %add3A_903 = arith.addi %mul3A_902, %get3A_899 : vector<16xi32>
    %swap3A_904 = arith.constant 960 : index
    %swap3A_905 = tpu.vector_load %arg8[%swap3A_904] {strides = array<i32>} : memref<1024xi32, #tpu.memory_space<vmem>>, vector<16xi32>,
    %swap3A_906 = vector.shape_cast %swap3A_905 : vector<16xi32> to vector<16xi32>
    %swap3A_907 = vector.shape_cast %add3A_903 : vector<16xi32> to vector<16xi32>
    tpu.vector_store %arg8[%swap3A_904], %swap3A_907 {strides = array<i32>} : memref<1024xi32, #tpu.memory_space<vmem>>, vector<16xi32>,
    %get3A_908 = arith.constant 976 : index
    %get3A_909 = tpu.vector_load %arg6[%get3A_908] {strides = array<i32>} : memref<1024xi32, #tpu.memory_space<vmem>>, vector<16xi32>,
    %get3A_910 = vector.shape_cast %get3A_909 : vector<16xi32> to vector<16xi32>
    %get3A_911 = arith.constant 976 : index
    %get3A_912 = tpu.vector_load %arg7[%get3A_911] {strides = array<i32>} : memref<1024xi32, #tpu.memory_space<vmem>>, vector<16xi32>,
    %get3A_913 = vector.shape_cast %get3A_912 : vector<16xi32> to vector<16xi32>
    %mul3A_914 = arith.constant 128 : i32
    %mul3A_915 = vector.broadcast %mul3A_914 : i32 to vector<16xi32>
    %mul3A_916 = arith.muli %get3A_910, %mul3A_915 : vector<16xi32>
    %add3A_917 = arith.addi %mul3A_916, %get3A_913 : vector<16xi32>
    %swap3A_918 = arith.constant 976 : index
    %swap3A_919 = tpu.vector_load %arg8[%swap3A_918] {strides = array<i32>} : memref<1024xi32, #tpu.memory_space<vmem>>, vector<16xi32>,
    %swap3A_920 = vector.shape_cast %swap3A_919 : vector<16xi32> to vector<16xi32>
    %swap3A_921 = vector.shape_cast %add3A_917 : vector<16xi32> to vector<16xi32>
    tpu.vector_store %arg8[%swap3A_918], %swap3A_921 {strides = array<i32>} : memref<1024xi32, #tpu.memory_space<vmem>>, vector<16xi32>,
    %get3A_922 = arith.constant 992 : index
    %get3A_923 = tpu.vector_load %arg6[%get3A_922] {strides = array<i32>} : memref<1024xi32, #tpu.memory_space<vmem>>, vector<16xi32>,
    %get3A_924 = vector.shape_cast %get3A_923 : vector<16xi32> to vector<16xi32>
    %get3A_925 = arith.constant 992 : index
    %get3A_926 = tpu.vector_load %arg7[%get3A_925] {strides = array<i32>} : memref<1024xi32, #tpu.memory_space<vmem>>, vector<16xi32>,
    %get3A_927 = vector.shape_cast %get3A_926 : vector<16xi32> to vector<16xi32>
    %mul3A_928 = arith.constant 128 : i32
    %mul3A_929 = vector.broadcast %mul3A_928 : i32 to vector<16xi32>
    %mul3A_930 = arith.muli %get3A_924, %mul3A_929 : vector<16xi32>
    %add3A_931 = arith.addi %mul3A_930, %get3A_927 : vector<16xi32>
    %swap3A_932 = arith.constant 992 : index
    %swap3A_933 = tpu.vector_load %arg8[%swap3A_932] {strides = array<i32>} : memref<1024xi32, #tpu.memory_space<vmem>>, vector<16xi32>,
    %swap3A_934 = vector.shape_cast %swap3A_933 : vector<16xi32> to vector<16xi32>
    %swap3A_935 = vector.shape_cast %add3A_931 : vector<16xi32> to vector<16xi32>
    tpu.vector_store %arg8[%swap3A_932], %swap3A_935 {strides = array<i32>} : memref<1024xi32, #tpu.memory_space<vmem>>, vector<16xi32>,
    %get3A_936 = arith.constant 1008 : index
    %get3A_937 = tpu.vector_load %arg6[%get3A_936] {strides = array<i32>} : memref<1024xi32, #tpu.memory_space<vmem>>, vector<16xi32>,
    %get3A_938 = vector.shape_cast %get3A_937 : vector<16xi32> to vector<16xi32>
    %get3A_939 = arith.constant 1008 : index
    %get3A_940 = tpu.vector_load %arg7[%get3A_939] {strides = array<i32>} : memref<1024xi32, #tpu.memory_space<vmem>>, vector<16xi32>,
    %get3A_941 = vector.shape_cast %get3A_940 : vector<16xi32> to vector<16xi32>
    %mul3A_942 = arith.constant 128 : i32
    %mul3A_943 = vector.broadcast %mul3A_942 : i32 to vector<16xi32>
    %mul3A_944 = arith.muli %get3A_938, %mul3A_943 : vector<16xi32>
    %add3A_945 = arith.addi %mul3A_944, %get3A_941 : vector<16xi32>
    %swap3A_946 = arith.constant 1008 : index
    %swap3A_947 = tpu.vector_load %arg8[%swap3A_946] {strides = array<i32>} : memref<1024xi32, #tpu.memory_space<vmem>>, vector<16xi32>,
    %swap3A_948 = vector.shape_cast %swap3A_947 : vector<16xi32> to vector<16xi32>
    %swap3A_949 = vector.shape_cast %add3A_945 : vector<16xi32> to vector<16xi32>
    tpu.vector_store %arg8[%swap3A_946], %swap3A_949 {strides = array<i32>} : memref<1024xi32, #tpu.memory_space<vmem>>, vector<16xi32>,
    %dma_start3A_950 = arith.constant 512 : i32
    %dma_start3A_951 = tpu.memref_slice %arg9[%dma_start3A_950] : memref<1024xf32, #tpu.memory_space<vmem>> -> memref<512xf32, #tpu.memory_space<vmem>>
    %dma_start3A_952 = arith.constant 512 : i32
    %dma_start3A_953 = tpu.memref_slice %arg8[%dma_start3A_952] : memref<1024xi32, #tpu.memory_space<vmem>> -> memref<512xi32, #tpu.memory_space<vmem>>
    %dma_start3A_954 = arith.constant 0 : i32
    %dma_start3A_955 = tpu.memref_slice %arg4[%dma_start3A_954] : memref<12800000xf32, #tpu.memory_space<hbm>> -> memref<12800000xf32, #tpu.memory_space<hbm>>
    tpu.enqueue_indirect_dma source(%dma_start3A_955 : memref<12800000xf32, #tpu.memory_space<hbm>>) target(%dma_start3A_951 : memref<512xf32, #tpu.memory_space<vmem>>) offsets(%dma_start3A_953 : memref<512xi32, #tpu.memory_space<vmem>>) semaphore(%arg12 : memref<!tpu.dma_semaphore, #tpu.memory_space<semaphore_mem>>)
    %dma_wait3A_956 = arith.constant 0 : i32
    %dma_wait3A_957 = tpu.memref_slice %arg9[%dma_wait3A_956] : memref<1024xf32, #tpu.memory_space<vmem>> -> memref<512xf32, #tpu.memory_space<vmem>>
    %dma_wait3A_958 = arith.constant 0 : i32
    %dma_wait3A_959 = tpu.memref_slice %arg8[%dma_wait3A_958] : memref<1024xi32, #tpu.memory_space<vmem>> -> memref<512xi32, #tpu.memory_space<vmem>>
    %dma_wait3A_960 = arith.constant 0 : i32
    %dma_wait3A_961 = tpu.memref_slice %arg4[%dma_wait3A_960] : memref<12800000xf32, #tpu.memory_space<hbm>> -> memref<12800000xf32, #tpu.memory_space<hbm>>
    tpu.wait_indirect_dma semaphore(%arg11 : memref<!tpu.dma_semaphore, #tpu.memory_space<semaphore_mem>>) src(%dma_wait3A_961 : memref<12800000xf32, #tpu.memory_space<hbm>>) dst(%dma_wait3A_957 : memref<512xf32, #tpu.memory_space<vmem>>)
    %dma_start3A_962 = arith.constant 0 : i32
    %dma_start3A_963 = tpu.memref_slice %arg9[%dma_start3A_962] : memref<1024xf32, #tpu.memory_space<vmem>> -> memref<512xf32, #tpu.memory_space<vmem>>
    %dma_start3A_964 = tpu.memref_slice %arg5[%mul3A_0] : memref<16384xf32, #tpu.memory_space<hbm>> -> memref<512xf32, #tpu.memory_space<hbm>>
    %dma_start3A_965 = tpu.memref_slice %arg5[%mul3A_0] : memref<16384xf32, #tpu.memory_space<hbm>> -> memref<512xf32, #tpu.memory_space<hbm>>
    %dma_start3A_966 = arith.constant 0 : i32
    %dma_start3A_967 = tpu.memref_slice %arg9[%dma_start3A_966] : memref<1024xf32, #tpu.memory_space<vmem>> -> memref<512xf32, #tpu.memory_space<vmem>>
    tpu.enqueue_dma source(%dma_start3A_967 : memref<512xf32, #tpu.memory_space<vmem>>) target(%dma_start3A_965 : memref<512xf32, #tpu.memory_space<hbm>>) target_semaphore(%arg13 : memref<!tpu.dma_semaphore, #tpu.memory_space<semaphore_mem>>)
    %dma_wait3A_968 = arith.constant 512 : i32
    %dma_wait3A_969 = tpu.memref_slice %arg9[%dma_wait3A_968] : memref<1024xf32, #tpu.memory_space<vmem>> -> memref<512xf32, #tpu.memory_space<vmem>>
    %dma_wait3A_970 = arith.constant 512 : i32
    %dma_wait3A_971 = tpu.memref_slice %arg8[%dma_wait3A_970] : memref<1024xi32, #tpu.memory_space<vmem>> -> memref<512xi32, #tpu.memory_space<vmem>>
    %dma_wait3A_972 = arith.constant 0 : i32
    %dma_wait3A_973 = tpu.memref_slice %arg4[%dma_wait3A_972] : memref<12800000xf32, #tpu.memory_space<hbm>> -> memref<12800000xf32, #tpu.memory_space<hbm>>
    tpu.wait_indirect_dma semaphore(%arg12 : memref<!tpu.dma_semaphore, #tpu.memory_space<semaphore_mem>>) src(%dma_wait3A_973 : memref<12800000xf32, #tpu.memory_space<hbm>>) dst(%dma_wait3A_969 : memref<512xf32, #tpu.memory_space<vmem>>)
    %add3A_974 = arith.constant 512 : i32
    %add3A_975 = arith.addi %mul3A_0, %add3A_974 : i32
    %dma_start3A_976 = arith.constant 512 : i32
    %dma_start3A_977 = tpu.memref_slice %arg9[%dma_start3A_976] : memref<1024xf32, #tpu.memory_space<vmem>> -> memref<512xf32, #tpu.memory_space<vmem>>
    %dma_start3A_978 = tpu.memref_slice %arg5[%add3A_975] : memref<16384xf32, #tpu.memory_space<hbm>> -> memref<512xf32, #tpu.memory_space<hbm>>
    %dma_start3A_979 = tpu.memref_slice %arg5[%add3A_975] : memref<16384xf32, #tpu.memory_space<hbm>> -> memref<512xf32, #tpu.memory_space<hbm>>
    %dma_start3A_980 = arith.constant 512 : i32
    %dma_start3A_981 = tpu.memref_slice %arg9[%dma_start3A_980] : memref<1024xf32, #tpu.memory_space<vmem>> -> memref<512xf32, #tpu.memory_space<vmem>>
    tpu.enqueue_dma source(%dma_start3A_981 : memref<512xf32, #tpu.memory_space<vmem>>) target(%dma_start3A_979 : memref<512xf32, #tpu.memory_space<hbm>>) target_semaphore(%arg13 : memref<!tpu.dma_semaphore, #tpu.memory_space<semaphore_mem>>)
    %dma_wait3A_982 = arith.constant 0 : i32
    %dma_wait3A_983 = tpu.memref_slice %arg9[%dma_wait3A_982] : memref<1024xf32, #tpu.memory_space<vmem>> -> memref<512xf32, #tpu.memory_space<vmem>>
    %dma_wait3A_984 = tpu.memref_slice %arg5[%mul3A_0] : memref<16384xf32, #tpu.memory_space<hbm>> -> memref<512xf32, #tpu.memory_space<hbm>>
    %dma_wait3A_985 = tpu.memref_slice %arg5[%mul3A_0] : memref<16384xf32, #tpu.memory_space<hbm>> -> memref<512xf32, #tpu.memory_space<hbm>>
    %dma_wait3A_986 = arith.constant 0 : i32
    %dma_wait3A_987 = tpu.memref_slice %arg9[%dma_wait3A_986] : memref<1024xf32, #tpu.memory_space<vmem>> -> memref<512xf32, #tpu.memory_space<vmem>>
    tpu.wait_dma2 semaphore(%arg13 : memref<!tpu.dma_semaphore, #tpu.memory_space<semaphore_mem>>) src(%dma_wait3A_987 : memref<512xf32, #tpu.memory_space<vmem>>) dst(%dma_wait3A_985 : memref<512xf32, #tpu.memory_space<hbm>>)
    %dma_wait3A_988 = arith.constant 512 : i32
    %dma_wait3A_989 = tpu.memref_slice %arg9[%dma_wait3A_988] : memref<1024xf32, #tpu.memory_space<vmem>> -> memref<512xf32, #tpu.memory_space<vmem>>
    %dma_wait3A_990 = tpu.memref_slice %arg5[%add3A_975] : memref<16384xf32, #tpu.memory_space<hbm>> -> memref<512xf32, #tpu.memory_space<hbm>>
    %dma_wait3A_991 = tpu.memref_slice %arg5[%add3A_975] : memref<16384xf32, #tpu.memory_space<hbm>> -> memref<512xf32, #tpu.memory_space<hbm>>
    %dma_wait3A_992 = arith.constant 512 : i32
    %dma_wait3A_993 = tpu.memref_slice %arg9[%dma_wait3A_992] : memref<1024xf32, #tpu.memory_space<vmem>> -> memref<512xf32, #tpu.memory_space<vmem>>
    tpu.wait_dma2 semaphore(%arg13 : memref<!tpu.dma_semaphore, #tpu.memory_space<semaphore_mem>>) src(%dma_wait3A_993 : memref<512xf32, #tpu.memory_space<vmem>>) dst(%dma_wait3A_991 : memref<512xf32, #tpu.memory_space<hbm>>)
    return
  }
}

</mosaic_0001>

<sc_bundles>
// kernel: kernel.3.cloned.1.call-start
scs
__scs_entry_jumppad:
0x0: {  	(pc) =	sbr.rel $0x88, $3  }
0x1: {  	(tag) =	ssettag $0x0;
	lr =	simm.s32 $0x1  }
0x2: {  	[smem:$0x3F9E] =	sst lr;
	_ =	strace $0xD0000000  }
0x3: {  	_ = 	snop  }
0x4: {  	_ = 	snop  }
0x5: {  	_ = 	snop  }
0x6: {  	_ = 	snop  }
0x7: {  	_ = 	snop  }
__scs_overlays_trampoline_lowered:
0x8: {  	[smem:$0x3FAD] =	sst s0  }
0x9: {  	[smem:$0x3FAE] =	sst s1  }
0xa: {  	[smem:$0x3FAF] =	sst s2  }
0xb: {  	[smem:$0x3FB0] =	sst s3  }
0xc: {  	[smem:$0x3FB1] =	sst s4  }
0xd: {  	[smem:$0x3FB2] =	sst s5  }
0xe: {  	[smem:$0x3FB3] =	sst s6  }
0xf: {  	[smem:$0x3FB4] =	sst s7  }
0x10: {  	[smem:$0x3FB5] =	sst s8  }
0x11: {  	[smem:$0x3FB6] =	sst s9;
	s0 =	simm.s32 @!p0 $0x0  }
0x12: {  	s1 =	sld [smem:$0x3F9C];
	s0 =	simm.s32 @p0 $0x1  }
0x13: {  	[smem:$0x3FB7] =	sst s0;
	s0 =	simm.s32 @!p1 $0x0  }
0x14: {  	s2 =	sld [smem:$0x3F9B];
	s0 =	simm.s32 @p1 $0x1  }
0x15: {  	[smem:$0x3FB8] =	sst s0;
	s0 =	simm.s32 @!p2 $0x0  }
0x16: {  	s3 =	sld [smem:$0x3FDB];
	s0 =	simm.s32 @p2 $0x1  }
0x17: {  	s4 =	simm.s32 $0x1BF5;
	[smem:$0x3FBA] =	sst s0  }
0x18: {  	s0 =	sld [smem:$0x3F9D];
	_ =	swait.ge [sflag:s4], $0x0  }
0x19: {  	s7 =	sld [smem:$0x3F9E]  }
0x1a: {  	s8 =	sadd.s32 $0xFFFFE003, lr  }
0x1b: {  	s9 =	sadd.s32 $0xFFFFFEF7, lr;
	s5 =	simm.s32 $0xFFFFFFFF;
	p2 =	slt.u32 s8, $0xFFFFF086  }
0x1c: {  	p1 =	slt.u32 s9, $0xF7A;
	s5 =	simm.s32 @!p2 $0x0  }
0x1d: {  	s5 =	simm.s32 @p1 $0x1;
	p0 =	seq.s32 s7, s2  }
0x1e: {  	s7 =	smul.u32 @!p0 $0xF7A, s2;
	p2 =	seq.s32 @!p0 s5, $0x0  }
0x1f: {  	s9 =	smul.u32 $0xF7A, s1;
	s8 =	simm.s32 @!p0 $0x1BF5;
	p2 =	por !p2, p0  }
0x20: {  	[sflag:s8] =	ssyncset.s32 @!p0 $0xFFFFF086;
	s6 =	sadd.s32 @!p0 s3, s7;
	s7 =	simm.s32 @!p0 $0x108  }
0x21: {  	s3 =	sadd.s32 s3, s9;
	s6 =	sadd.s32 @!p0 $0x88, s6;
	s7 =	simm.s32 @p2 $0x1082  }
0x22: {  	[simem:s7], [sflag:s8] =	dma.local @!p0 [hbm:s6], $0xF7A  }
0x23: {  	s9 =	sor.u32 $0xD0000000, s2;
	s6 =	simm.s32 $0x108;
	_ =	swait.ge @!p0 [sflag:s8], $0x0  }
0x24: {  	s3 =	sadd.s32 $0x88, s3;
	s6 =	simm.s32 @!p1 $0x1082;
	[sflag:s4] =	ssyncset.s32 $0xFFFFF086  }
0x25: {  	[simem:s6], [sflag:s4] =	dma.local [hbm:s3], $0xF7A  }
0x26: {  	[smem:$0x3F9E] =	sst s1;
	(tag) =	ssettag s2;
	_ =	strace s9  }
0x27: {  	s1 =	sld [smem:$0x3FAE]  }
0x28: {  	s2 =	sld [smem:$0x3FAF]  }
0x29: {  	s4 =	sld [smem:$0x3FB1]  }
0x2a: {  	p0 =	seq.s32 s5, $0x0;
	s5 =	sld [smem:$0x3FB2]  }
0x2b: {  	s6 =	sld [smem:$0x3FB3]  }
0x2c: {  	s7 =	sld [smem:$0x3FB4]  }
0x2d: {  	s3 =	simm.s32 $0x108;
	s8 =	sld [smem:$0x3FB5]  }
0x2e: {  	s3 =	simm.s32 @!p0 $0x1082;
	s9 =	sld [smem:$0x3FB6]  }
0x2f: {  	lr =	sadd.s32 s0, s3;
	s0 =	sld [smem:$0x3FAD]  }
0x30: {  	s3 =	sld [smem:$0x3FB0]  }
0x31: {  	[smem:$0x3FB9] =	sst s10  }
0x32: {  	s10 =	sld [smem:$0x3FB7];
	_ =	sdelay $0x3  }
0x33: {  	p0 =	seq.s32 s10, $0x1;
	s10 =	sld [smem:$0x3FB9];
	_ =	sdelay $0x3  }
0x34: {  	[smem:$0x3FB9] =	sst s10  }
0x35: {  	s10 =	sld [smem:$0x3FB8];
	_ =	sdelay $0x3  }
0x36: {  	p1 =	seq.s32 s10, $0x1;
	s10 =	sld [smem:$0x3FB9];
	_ =	sdelay $0x3  }
0x37: {  	[smem:$0x3FB9] =	sst s10  }
0x38: {  	s10 =	sld [smem:$0x3FBA]  }
0x39: {  	_ = 	snop;
	(pc) =	sbr.ind lr, $3  }
0x3a: {  	_ = 	snop  }
0x3b: {  	_ = 	snop  }
0x3c: {  	p2 =	seq.s32 s10, $0x1;
	s10 =	sld [smem:$0x3FB9]  }
0x3d: {  	_ =	shalt  }
0x3e: {  	_ =	shalt  }
0x3f: {  	_ =	shalt  }
0x40: {  	_ =	shalt  }
0x41: {  	_ =	shalt  }
0x42: {  	_ =	shalt  }
0x43: {  	_ =	shalt  }
0x44: {  	_ =	shalt  }
0x45: {  	_ =	shalt  }
0x46: {  	_ =	shalt  }
0x47: {  	_ =	shalt  }
0x48: {  	_ =	shalt  }
0x49: {  	_ =	shalt  }
0x4a: {  	_ =	shalt  }
0x4b: {  	_ =	shalt  }
0x4c: {  	_ =	shalt  }
0x4d: {  	_ =	shalt  }
0x4e: {  	_ =	shalt  }
0x4f: {  	_ =	shalt  }
0x50: {  	_ =	shalt  }
0x51: {  	_ =	shalt  }
0x52: {  	_ =	shalt  }
0x53: {  	_ =	shalt  }
0x54: {  	_ =	shalt  }
0x55: {  	_ =	shalt  }
0x56: {  	_ =	shalt  }
0x57: {  	_ =	shalt  }
0x58: {  	_ =	shalt  }
0x59: {  	_ =	shalt  }
0x5a: {  	_ =	shalt  }
0x5b: {  	_ =	shalt  }
0x5c: {  	_ =	shalt  }
0x5d: {  	_ =	shalt  }
0x5e: {  	_ =	shalt  }
0x5f: {  	_ =	shalt  }
0x60: {  	_ =	shalt  }
0x61: {  	_ =	shalt  }
0x62: {  	_ =	shalt  }
0x63: {  	_ =	shalt  }
0x64: {  	_ =	shalt  }
0x65: {  	_ =	shalt  }
0x66: {  	_ =	shalt  }
0x67: {  	_ =	shalt  }
0x68: {  	_ =	shalt  }
0x69: {  	_ =	shalt  }
0x6a: {  	_ =	shalt  }
0x6b: {  	_ =	shalt  }
0x6c: {  	_ =	shalt  }
0x6d: {  	_ =	shalt  }
0x6e: {  	_ =	shalt  }
0x6f: {  	_ =	shalt  }
0x70: {  	_ =	shalt  }
0x71: {  	_ =	shalt  }
0x72: {  	_ =	shalt  }
0x73: {  	_ =	shalt  }
0x74: {  	_ =	shalt  }
0x75: {  	_ =	shalt  }
0x76: {  	_ =	shalt  }
0x77: {  	_ =	shalt  }
0x78: {  	_ =	shalt  }
0x79: {  	_ =	shalt  }
0x7a: {  	_ =	shalt  }
0x7b: {  	_ =	shalt  }
0x7c: {  	_ =	shalt  }
0x7d: {  	_ =	shalt  }
0x7e: {  	_ =	shalt  }
0x7f: {  	_ =	shalt  }
0x80: {  	_ =	shalt  }
0x81: {  	_ =	shalt  }
0x82: {  	_ =	shalt  }
0x83: {  	_ =	shalt  }
0x84: {  	_ =	shalt  }
0x85: {  	_ =	shalt  }
0x86: {  	_ =	shalt  }
0x87: {  	_ =	shalt  }
.Lfunc_end0:
.L_simem_size_0:
called_computation_lowered:
.L_overlay_start_0:
0x88: {  	s0 =	sld [smem:$0x3FD9]  }
0x89: {  	s1 =	sld [smem:$0x3FFE];
	_ =	sdelay $0x3  }
0x8a: {  	s0 =	sadd.s32 s1, s0  }
0x8b: {  	[smem:$0x3FC5] =	sst s0  }
0x8c: {  	_ = 	snop  }
0x8d: {  	s0 =	sld [smem:$0x3FC9]  }
0x8e: {  	s17 =	sld [smem:$0x3FC8]  }
0x8f: {  	s2 =	sld [smem:$0x3FC7]  }
0x90: {  	s3 =	sld [smem:$0x3FD0];
	(tm) =	ssettm $0x1  }
0x91: {  	s4 =	sld [smem:$0x3FFB];
	_ =	sdelay $0x3  }
0x92: {  	_ =	strace s4  }
0x93: {  	s4 =	sld [smem:$0x3FFC];
	_ =	sdelay $0x3  }
0x94: {  	_ =	strace s4  }
0x95: {  	s4 =	sld [smem:$0x3FFD];
	_ =	sdelay $0x3  }
0x96: {  	_ =	strace s4  }
0x97: {  	_ =	strace $0x8FFFFFFF  }
0x98: {  	s18 =	sld [smem:$0x3FDB];
	_ =	sdelay $0x1  }
0x99: {  	s5 =	simm.s32 $_scs_section_size  }
0x9a: {  	s6 =	simm.s32 $_size__tile_overlayer_lowered;
	s7 =	simm.s32 $_tile_overlayer_lowered  }
0x9b: {  	s21 =	simm.s32 $0x1BFF;
	s20 =	sshll.u32 s7, $0x1;
	s4 =	sadd.s32 s5, s18  }
0x9c: {  	s8 =	simm.s32 $0x0;
	s19 =	sshll.u32 s6, $0x1;
	s6 =	sadd.s32 s20, s4  }
0x9d: {  	[timem:s8], [sflag:s21] =	dma.local [hbm:s6], s19  }
0x9e: {  	_ =	swait.ge [sflag:s21], s19  }
0x9f: {  	s5 =	ssub.s32 $0x0, s19;
	[sflag:s21] =	ssyncset.done $0x0  }
0xa0: {  	[sflag:s21] =	ssyncadd.s32 s5;
	_ =	sdelay $0x1  }
0xa1: {  	s22 =	simm.s32 $0x1B8B  }
0xa2: {  	_ =	swait.ge [sflag:s22], $0x1  }
0xa3: {  	[sflag:s22] =	ssyncset.done $0x0  }
0xa4: {  	s23 =	simm.s32 $0x1B8E;
	[sflag:s22] =	ssyncadd.s32 $0xFFFFFFFF  }
0xa5: {  	s24 =	simm.s32 $execute0_lowered;
	[smem:$0x3FD2] =	sst s23  }
0xa6: {  	s5 =	sshll.u32 s24, $0x1;
	_ =	strace $0x80000046;
	[dreg:$0x1] =	wrdreg $0xFFFFFFFF  }
0xa7: {  	s25 =	simm.s32 $_size_execute0_lowered;
	s4 =	sadd.s32 s4, s5;
	[dreg:$0x0] =	wrdreg $0x0  }
0xa8: {  	s5 =	sshll.u32 s25, $0x1;
	[dreg:$0x2] =	wrdreg s4  }
0xa9: {  	[dreg:$0x3] =	wrdreg s5  }
0xaa: {  	[dreg:$0x4] =	wrdreg $0xC0  }
0xab: {  	_ =	task [dreg:s8], $0x5FFFF  }
0xac: {  	[dreg:$0x1] =	wrdreg $0xFFFFFFFF  }
0xad: {  	[dreg:$0x0] =	wrdreg $0x60  }
0xae: {  	[dreg:$0x2] =	wrdreg s0  }
0xaf: {  	[dreg:$0x3] =	wrdreg s17  }
0xb0: {  	[dreg:$0x4] =	wrdreg s2  }
0xb1: {  	[dreg:$0x5] =	wrdreg s3  }
0xb2: {  	[dreg:$0x6] =	wrdreg $0x9  }
0xb3: {  	_ =	task.clear_ibuf [dreg:s8], $0x7FFFF;
	_ =	strace $0x90000046  }
0xb4: {  	s26 =	simm.s32 $0x9;
	_ =	strace $0x80000048  }
0xb5: {  	_ =	swait.ge [sflag:s26], $0x1  }
0xb6: {  	[sflag:s26] =	ssyncadd.s32 $0xFFFFFFFF  }
0xb7: {  	_ =	strace $0x90000048  }
0xb8: {  	_ =	sfence  }
0xb9: {  	s28 =	sld [smem:$0x0];
	_ =	sdelay $0x1  }
0xba: {  	s29 =	srdreg.scid  }
0xbb: {  	s30 =	sshll.u32 s29, $0xD;
	s31 =	sshrl.u32 s29, $0x2  }
0xbc: {  	s1 =	sand.u32 $0x1, s29;
	s2 =	sand.u32 $0x4000, s30;
	s0 =	sadd.s32 s31, s28  }
0xbd: {  	s1 =	sor.u32 s2, s1;
	s0 =	sshll.u32 s0, $0x11  }
0xbe: {  	s0 =	sor.u32 s0, s1  }
0xbf: {  	s0 =	sadd.s32 $0x8F2B, s0  }
0xc0: {  	[sflag:s0] =	ssyncadd.remote.s32 $0x1  }
0xc1: {  	_ =	sfence.sel $0xFFFF  }
0xc2: {  	[dreg:$0x0] =	wrdreg $0xFFFFFFFF;
	(pc) =	sbr.abs _section_cstart, $3  }
0xc3: {  	[dreg:$0x1] =	wrdreg $0xFFFFFFFF  }
0xc4: {  	_ =	task.clear_ibuf [dreg:s8], $0x2FFFF;
	_ =	strace $0x9FFFFFFF  }
0xc5: {  	(tm) =	ssettm $0x7FFFFFFF  }
tec
execute0_lowered:
.L_overlay_start_1:
0x0: {  	(tag) =	ssettag $0x1  }
0x1: {  	s7 =	rddreg [dreg:$0x0]  }
0x2: {  	s8 =	rddreg [dreg:$0x1]  }
0x3: {  	s4 =	rddreg [dreg:$0x2]  }
0x4: {  	s2 =	rddreg [dreg:$0x3];
	s3 =	simm.s32 $0x0;
	s1 =	stileid.u32  }
0x5: {  	[smem:$0x7FF] =	sst s3;
	s6 =	sshll.u32 s1, $0x7  }
0x6: {  	s0 =	rddreg [dreg:$0x4];
	_ =	strace $0x80000047;
	s5 =	sadd.s32 s7, s6  }
0x7: {  	[tilespmem:s3], [sflag:$0x1] =	stream.linear.gather [hbm4b:s5+s3], $0x200, $0x38;
	[tilespmem:$0x1000] =	vst v63  }
0x8: {  	s10 =	simm.s32 $0x400;
	s9 =	sadd.s32 s8, s6;
	s19 =	sor.u32 $0x40, s6  }
0x9: {  	[tilespmem:s10], [sflag:$0x1] =	stream.linear.gather [hbm4b:s9+s3], $0x200, $0x38;
	[tilespmem:$0x1000] =	vst v63  }
0xa: {  	s21 =	simm.s32 $0x200;
	s20 =	sadd.s32 s7, s19  }
0xb: {  	[tilespmem:s21], [sflag:$0x1] =	stream.linear.gather [hbm4b:s20+s3], $0x200, $0x38;
	[tilespmem:$0x1000] =	vst v63  }
0xc: {  	s22 =	simm.s32 $0x600;
	s23 =	simm.s32 $0x1;
	s8 =	sadd.s32 s8, s19  }
0xd: {  	[tilespmem:s22], [sflag:$0x1] =	stream.linear.gather [hbm4b:s8+s3], $0x200, $0x38;
	[tilespmem:$0x1000] =	vst v63  }
0xe: {  	_ =	swait.ge [sflag:s23], $0x200  }
0xf: {  	[sflag:s23] =	ssyncset.done $0x0  }
0x10: {  	[sflag:s23] =	ssyncadd.s32 $0xFFFFFE00  }
0x11: {  	_ =	swait.ge [sflag:s23], $0x200  }
0x12: {  	[sflag:s23] =	ssyncset.done $0x0  }
0x13: {  	[sflag:s23] =	ssyncadd.s32 $0xFFFFFE00  }
0x14: {  	v0 =	vld [tilespmem:$0x0]  }
0x15: {  	v1 =	vld [tilespmem:$0x400]  }
0x16: {  	v2 =	vld [tilespmem:$0x10]  }
0x17: {  	v3 =	vld [tilespmem:$0x410]  }
0x18: {  	v4 =	vld [tilespmem:$0x20]  }
0x19: {  	v5 =	vld [tilespmem:$0x420]  }
0x1a: {  	v6 =	vld [tilespmem:$0x30]  }
0x1b: {  	v7 =	vld [tilespmem:$0x430]  }
0x1c: {  	v8 =	vld [tilespmem:$0x40]  }
0x1d: {  	v9 =	vld [tilespmem:$0x440]  }
0x1e: {  	v10 =	vld [tilespmem:$0x50]  }
0x1f: {  	v11 =	vld [tilespmem:$0x450]  }
0x20: {  	v12 =	vld [tilespmem:$0x60]  }
0x21: {  	v13 =	vld [tilespmem:$0x460]  }
0x22: {  	v14 =	vld [tilespmem:$0x70]  }
0x23: {  	v15 =	vld [tilespmem:$0x470]  }
0x24: {  	v16 =	vld [tilespmem:$0x80]  }
0x25: {  	v17 =	vld [tilespmem:$0x480]  }
0x26: {  	v18 =	vld [tilespmem:$0x90]  }
0x27: {  	v19 =	vld [tilespmem:$0x490]  }
0x28: {  	v20 =	vld [tilespmem:$0xA0]  }
0x29: {  	v21 =	vld [tilespmem:$0x4A0]  }
0x2a: {  	v22 =	vld [tilespmem:$0xB0]  }
0x2b: {  	v23 =	vld [tilespmem:$0x4B0]  }
0x2c: {  	v24 =	vld [tilespmem:$0xC0]  }
0x2d: {  	v25 =	vld [tilespmem:$0x4C0]  }
0x2e: {  	v26 =	vld [tilespmem:$0xD0]  }
0x2f: {  	v27 =	vld [tilespmem:$0x4D0]  }
0x30: {  	v28 =	vld [tilespmem:$0xE0]  }
0x31: {  	v29 =	vld [tilespmem:$0x4E0]  }
0x32: {  	v30 =	vld [tilespmem:$0xF0]  }
0x33: {  	v31 =	vld [tilespmem:$0x4F0]  }
0x34: {  	v32 =	vld [tilespmem:$0x100]  }
0x35: {  	v33 =	vld [tilespmem:$0x500]  }
0x36: {  	v34 =	vld [tilespmem:$0x110]  }
0x37: {  	v35 =	vld [tilespmem:$0x510]  }
0x38: {  	v36 =	vld [tilespmem:$0x120];
	v0 =	vshll.u32 v0, $0x7  }
0x39: {  	v63 =	vld [tilespmem:$0x170];
	v44 =	vshll.u32 v2, $0x7;
	v0 =	vadd.s32 v1, v0  }
0x3a: {  	v39 =	vld [tilespmem:$0x590];
	v46 =	vshll.u32 v4, $0x7;
	v45 =	vadd.s32 v3, v44;
	[tilespmem:$0x800] =	vst v0  }
0x3b: {  	v42 =	vld [tilespmem:$0x1A0];
	v48 =	vshll.u32 v6, $0x7;
	v47 =	vadd.s32 v5, v46;
	[tilespmem:$0x810] =	vst v45  }
0x3c: {  	v2 =	vld [tilespmem:$0x520];
	v50 =	vshll.u32 v8, $0x7;
	v49 =	vadd.s32 v7, v48;
	[tilespmem:$0x820] =	vst v47  }
0x3d: {  	v4 =	vld [tilespmem:$0x530];
	v52 =	vshll.u32 v10, $0x7;
	v51 =	vadd.s32 v9, v50;
	[tilespmem:$0x830] =	vst v49  }
0x3e: {  	v6 =	vld [tilespmem:$0x540];
	v54 =	vshll.u32 v12, $0x7;
	v53 =	vadd.s32 v11, v52;
	[tilespmem:$0x840] =	vst v51  }
0x3f: {  	v56 =	vshll.u32 v14, $0x7;
	v8 =	vld [tilespmem:$0x550];
	v55 =	vadd.s32 v13, v54;
	[tilespmem:$0x850] =	vst v53  }
0x40: {  	v58 =	vshll.u32 v16, $0x7;
	v10 =	vld [tilespmem:$0x560];
	v57 =	vadd.s32 v15, v56;
	[tilespmem:$0x860] =	vst v55  }
0x41: {  	v60 =	vshll.u32 v18, $0x7;
	v12 =	vld [tilespmem:$0x570];
	v59 =	vadd.s32 v17, v58;
	[tilespmem:$0x870] =	vst v57  }
0x42: {  	v62 =	vshll.u32 v20, $0x7;
	v3 =	vld [tilespmem:$0x130];
	v61 =	vadd.s32 v19, v60;
	[tilespmem:$0x880] =	vst v59  }
0x43: {  	v38 =	vshll.u32 v30, $0x7;
	v5 =	vld [tilespmem:$0x140];
	v18 =	vadd.s32 v21, v62;
	[tilespmem:$0x890] =	vst v61  }
0x44: {  	v41 =	vshll.u32 v32, $0x7;
	v7 =	vld [tilespmem:$0x150];
	v40 =	vadd.s32 v31, v38;
	[tilespmem:$0x8A0] =	vst v18  }
0x45: {  	v9 =	vld [tilespmem:$0x160];
	v19 =	vshll.u32 v22, $0x7;
	v43 =	vadd.s32 v33, v41;
	[tilespmem:$0x8F0] =	vst v40  }
0x46: {  	v21 =	vshll.u32 v24, $0x7;
	v22 =	vld [tilespmem:$0x180];
	v20 =	vadd.s32 v23, v19;
	[tilespmem:$0x900] =	vst v43  }
0x47: {  	v24 =	vshll.u32 v26, $0x7;
	v48 =	vld [tilespmem:$0x1B0];
	v23 =	vadd.s32 v25, v21;
	[tilespmem:$0x8B0] =	vst v20  }
0x48: {  	v44 =	vshll.u32 v34, $0x7;
	v54 =	vld [tilespmem:$0x1C0];
	v26 =	vadd.s32 v27, v24;
	[tilespmem:$0x8C0] =	vst v23  }
0x49: {  	v60 =	vld [tilespmem:$0x1D0];
	v27 =	vshll.u32 v28, $0x7;
	v46 =	vadd.s32 v35, v44;
	[tilespmem:$0x8D0] =	vst v26  }
0x4a: {  	v62 =	vshll.u32 v63, $0x7;
	v63 =	vld [tilespmem:$0x5D0];
	v47 =	vshll.u32 v36, $0x7;
	v37 =	vadd.s32 v29, v27;
	[tilespmem:$0x910] =	vst v46  }
0x4b: {  	v25 =	vld [tilespmem:$0x580];
	[tilespmem:$0x8E0] =	vst v37;
	v49 =	vadd.s32 v2, v47  }
0x4c: {  	v28 =	vld [tilespmem:$0x190];
	v12 =	vadd.s32 v12, v62;
	v50 =	vshll.u32 v3, $0x7;
	[tilespmem:$0x920] =	vst v49  }
0x4d: {  	v57 =	vld [tilespmem:$0x5C0];
	v53 =	vshll.u32 v5, $0x7;
	[tilespmem:$0x970] =	vst v12;
	v52 =	vadd.s32 v4, v50  }
0x4e: {  	v45 =	vld [tilespmem:$0x5A0];
	v56 =	vshll.u32 v7, $0x7;
	v55 =	vadd.s32 v6, v53;
	[tilespmem:$0x930] =	vst v52  }
0x4f: {  	v51 =	vld [tilespmem:$0x5B0];
	v59 =	vshll.u32 v9, $0x7;
	v58 =	vadd.s32 v8, v56;
	[tilespmem:$0x940] =	vst v55  }
0x50: {  	v20 =	vld [tilespmem:$0x1E0];
	v13 =	vshll.u32 v22, $0x7;
	v61 =	vadd.s32 v10, v59;
	[tilespmem:$0x950] =	vst v58  }
0x51: {  	v23 =	vld [tilespmem:$0x5E0];
	v31 =	vshll.u32 v54, $0x7;
	v21 =	vadd.s32 v25, v13;
	[tilespmem:$0x960] =	vst v61  }
0x52: {  	v26 =	vld [tilespmem:$0x1F0];
	v33 =	vshll.u32 v60, $0x7;
	v32 =	vadd.s32 v57, v31;
	[tilespmem:$0x980] =	vst v21  }
0x53: {  	v29 =	vld [tilespmem:$0x5F0];
	v22 =	vshll.u32 v28, $0x7;
	v34 =	vadd.s32 v63, v33;
	[tilespmem:$0x9C0] =	vst v32  }
0x54: {  	v25 =	vshll.u32 v42, $0x7;
	v24 =	vadd.s32 v39, v22;
	[tilespmem:$0x9D0] =	vst v34  }
0x55: {  	v28 =	vshll.u32 v48, $0x7;
	v27 =	vadd.s32 v45, v25;
	[tilespmem:$0x990] =	vst v24  }
0x56: {  	v30 =	vadd.s32 v51, v28;
	v35 =	vshll.u32 v20, $0x7;
	[tilespmem:$0x9A0] =	vst v27  }
0x57: {  	v37 =	vshll.u32 v26, $0x7;
	[tilespmem:$0x9B0] =	vst v30;
	v36 =	vadd.s32 v23, v35  }
0x58: {  	v38 =	vadd.s32 v29, v37;
	[tilespmem:$0x9E0] =	vst v36  }
0x59: {  	s24 =	simm.s32 $0x800;
	s25 =	simm.s32 $0xC00;
	[tilespmem:$0x9F0] =	vst v38  }
0x5a: {  	[tilespmem:s25], [sflag:$0x2] =	stream.indirect.gather [hbm4b:s4+s21], $0x1, s24, s21, $0xb8;
	[tilespmem:$0x1000] =	vst v63  }
0x5b: {  	_ =	swait.ge [sflag:s23], $0x200  }
0x5c: {  	[sflag:s23] =	ssyncset.done $0x0  }
0x5d: {  	[sflag:s23] =	ssyncadd.s32 $0xFFFFFE00  }
0x5e: {  	_ =	swait.ge [sflag:s23], $0x200  }
0x5f: {  	[sflag:s23] =	ssyncset.done $0x0  }
0x60: {  	[sflag:s23] =	ssyncadd.s32 $0xFFFFFE00  }
0x61: {  	v39 =	vld [tilespmem:$0x200]  }
0x62: {  	v1 =	vld [tilespmem:$0x600]  }
0x63: {  	v58 =	vld [tilespmem:$0x210]  }
0x64: {  	v59 =	vld [tilespmem:$0x610]  }
0x65: {  	v60 =	vld [tilespmem:$0x220]  }
0x66: {  	v61 =	vld [tilespmem:$0x620]  }
0x67: {  	v62 =	vld [tilespmem:$0x230]  }
0x68: {  	v63 =	vld [tilespmem:$0x630]  }
0x69: {  	v8 =	vld [tilespmem:$0x240]  }
0x6a: {  	v9 =	vld [tilespmem:$0x640]  }
0x6b: {  	v40 =	vld [tilespmem:$0x250]  }
0x6c: {  	v41 =	vld [tilespmem:$0x650]  }
0x6d: {  	v42 =	vld [tilespmem:$0x260]  }
0x6e: {  	v43 =	vld [tilespmem:$0x660]  }
0x6f: {  	v44 =	vld [tilespmem:$0x270]  }
0x70: {  	v45 =	vld [tilespmem:$0x670]  }
0x71: {  	v46 =	vld [tilespmem:$0x280]  }
0x72: {  	v47 =	vld [tilespmem:$0x680]  }
0x73: {  	v48 =	vld [tilespmem:$0x290]  }
0x74: {  	v49 =	vld [tilespmem:$0x690]  }
0x75: {  	v50 =	vld [tilespmem:$0x2A0]  }
0x76: {  	v51 =	vld [tilespmem:$0x6A0]  }
0x77: {  	v52 =	vld [tilespmem:$0x2B0]  }
0x78: {  	v53 =	vld [tilespmem:$0x6B0]  }
0x79: {  	v54 =	vld [tilespmem:$0x2C0]  }
0x7a: {  	v55 =	vld [tilespmem:$0x6C0]  }
0x7b: {  	v56 =	vld [tilespmem:$0x2D0]  }
0x7c: {  	v57 =	vld [tilespmem:$0x6D0]  }
0x7d: {  	v28 =	vld [tilespmem:$0x2E0]  }
0x7e: {  	v29 =	vld [tilespmem:$0x6E0]  }
0x7f: {  	v30 =	vld [tilespmem:$0x2F0]  }
0x80: {  	v31 =	vld [tilespmem:$0x6F0]  }
0x81: {  	v32 =	vld [tilespmem:$0x300]  }
0x82: {  	v33 =	vld [tilespmem:$0x700]  }
0x83: {  	v34 =	vld [tilespmem:$0x310]  }
0x84: {  	v35 =	vld [tilespmem:$0x710]  }
0x85: {  	v36 =	vld [tilespmem:$0x320];
	v0 =	vshll.u32 v39, $0x7  }
0x86: {  	v2 =	vld [tilespmem:$0x720];
	v58 =	vshll.u32 v58, $0x7;
	v0 =	vadd.s32 v1, v0  }
0x87: {  	v3 =	vld [tilespmem:$0x330];
	v60 =	vshll.u32 v60, $0x7;
	v59 =	vadd.s32 v59, v58;
	[tilespmem:$0xA00] =	vst v0  }
0x88: {  	v4 =	vld [tilespmem:$0x730];
	v62 =	vshll.u32 v62, $0x7;
	v61 =	vadd.s32 v61, v60;
	[tilespmem:$0xA10] =	vst v59  }
0x89: {  	v5 =	vld [tilespmem:$0x340];
	v8 =	vshll.u32 v8, $0x7;
	v63 =	vadd.s32 v63, v62;
	[tilespmem:$0xA20] =	vst v61  }
0x8a: {  	v6 =	vld [tilespmem:$0x740];
	v10 =	vshll.u32 v40, $0x7;
	v9 =	vadd.s32 v9, v8;
	[tilespmem:$0xA30] =	vst v63  }
0x8b: {  	v7 =	vld [tilespmem:$0x350];
	v12 =	vshll.u32 v42, $0x7;
	v11 =	vadd.s32 v41, v10;
	[tilespmem:$0xA40] =	vst v9  }
0x8c: {  	v38 =	vld [tilespmem:$0x750];
	v37 =	vshll.u32 v44, $0x7;
	v13 =	vadd.s32 v43, v12;
	[tilespmem:$0xA50] =	vst v11  }
0x8d: {  	v21 =	vld [tilespmem:$0x3A0];
	v40 =	vshll.u32 v46, $0x7;
	v39 =	vadd.s32 v45, v37;
	[tilespmem:$0xA60] =	vst v13  }
0x8e: {  	v24 =	vld [tilespmem:$0x7A0];
	v46 =	vshll.u32 v50, $0x7;
	v42 =	vadd.s32 v47, v40;
	[tilespmem:$0xA70] =	vst v39  }
0x8f: {  	v27 =	vld [tilespmem:$0x3B0];
	v20 =	vshll.u32 v32, $0x7;
	v43 =	vshll.u32 v48, $0x7;
	v48 =	vadd.s32 v51, v46;
	[tilespmem:$0xA80] =	vst v42  }
0x90: {  	v44 =	vld [tilespmem:$0x760];
	v23 =	vshll.u32 v34, $0x7;
	v22 =	vadd.s32 v33, v20;
	[tilespmem:$0xAA0] =	vst v48  }
0x91: {  	v50 =	vld [tilespmem:$0x770];
	v26 =	vshll.u32 v36, $0x7;
	v25 =	vadd.s32 v35, v23;
	[tilespmem:$0xB00] =	vst v22  }
0x92: {  	v32 =	vshll.u32 v5, $0x7;
	v36 =	vld [tilespmem:$0x7C0];
	v58 =	vshll.u32 v28, $0x7;
	v28 =	vadd.s32 v2, v26;
	[tilespmem:$0xB10] =	vst v25  }
0x93: {  	v41 =	vld [tilespmem:$0x360];
	v34 =	vadd.s32 v6, v32;
	[tilespmem:$0xB20] =	vst v28  }
0x94: {  	v47 =	vld [tilespmem:$0x370];
	v45 =	vadd.s32 v49, v43;
	[tilespmem:$0xB40] =	vst v34  }
0x95: {  	v62 =	vld [tilespmem:$0x790];
	v35 =	vshll.u32 v7, $0x7;
	v60 =	vadd.s32 v29, v58;
	[tilespmem:$0xA90] =	vst v45  }
0x96: {  	v33 =	vld [tilespmem:$0x3C0];
	v49 =	vshll.u32 v52, $0x7;
	v37 =	vadd.s32 v38, v35;
	[tilespmem:$0xAE0] =	vst v60  }
0x97: {  	v52 =	vshll.u32 v54, $0x7;
	v59 =	vld [tilespmem:$0x390];
	v51 =	vadd.s32 v53, v49;
	[tilespmem:$0xB50] =	vst v37  }
0x98: {  	v61 =	vshll.u32 v30, $0x7;
	v30 =	vld [tilespmem:$0x7B0];
	v54 =	vadd.s32 v55, v52;
	[tilespmem:$0xAB0] =	vst v51  }
0x99: {  	v29 =	vshll.u32 v3, $0x7;
	v39 =	vld [tilespmem:$0x3D0];
	v63 =	vadd.s32 v31, v61;
	[tilespmem:$0xAC0] =	vst v54  }
0x9a: {  	v42 =	vld [tilespmem:$0x7D0];
	v55 =	vshll.u32 v56, $0x7;
	v31 =	vadd.s32 v4, v29;
	[tilespmem:$0xAF0] =	vst v63  }
0x9b: {  	v53 =	vld [tilespmem:$0x380];
	v57 =	vadd.s32 v57, v55;
	[tilespmem:$0xB30] =	vst v31;
	v38 =	vshll.u32 v41, $0x7  }
0x9c: {  	v56 =	vld [tilespmem:$0x780];
	[tilespmem:$0xAD0] =	vst v57;
	v41 =	vshll.u32 v47, $0x7;
	v40 =	vadd.s32 v44, v38  }
0x9d: {  	v45 =	vld [tilespmem:$0x3E0];
	v43 =	vadd.s32 v50, v41;
	v47 =	vshll.u32 v59, $0x7;
	[tilespmem:$0xB60] =	vst v40  }
0x9e: {  	v48 =	vld [tilespmem:$0x7E0];
	v50 =	vshll.u32 v21, $0x7;
	[tilespmem:$0xB70] =	vst v43;
	v49 =	vadd.s32 v62, v47  }
0x9f: {  	v51 =	vld [tilespmem:$0x3F0];
	v58 =	vshll.u32 v39, $0x7;
	v52 =	vadd.s32 v24, v50;
	[tilespmem:$0xB90] =	vst v49  }
0xa0: {  	v54 =	vld [tilespmem:$0x7F0];
	v44 =	vshll.u32 v53, $0x7;
	v59 =	vadd.s32 v42, v58;
	[tilespmem:$0xBA0] =	vst v52  }
0xa1: {  	v53 =	vshll.u32 v27, $0x7;
	v46 =	vadd.s32 v56, v44;
	[tilespmem:$0xBD0] =	vst v59  }
0xa2: {  	v60 =	vshll.u32 v45, $0x7;
	v55 =	vadd.s32 v30, v53;
	[tilespmem:$0xB80] =	vst v46  }
0xa3: {  	v56 =	vshll.u32 v33, $0x7;
	v61 =	vadd.s32 v48, v60;
	[tilespmem:$0xBB0] =	vst v55  }
0xa4: {  	v62 =	vshll.u32 v51, $0x7;
	v57 =	vadd.s32 v36, v56;
	[tilespmem:$0xBE0] =	vst v61  }
0xa5: {  	v63 =	vadd.s32 v54, v62;
	[tilespmem:$0xBC0] =	vst v57  }
0xa6: {  	s26 =	simm.s32 $0xA00;
	s28 =	simm.s32 $0xE00;
	s29 =	simm.s32 $0x2;
	[tilespmem:$0xBF0] =	vst v63  }
0xa7: {  	[tilespmem:s28], [sflag:$0x3] =	stream.indirect.gather [hbm4b:s4+s21], $0x1, s26, s21, $0xb8;
	[tilespmem:$0x1000] =	vst v63  }
0xa8: {  	_ =	swait.ge [sflag:s29], $0x200  }
0xa9: {  	[sflag:s29] =	ssyncset.done $0x0  }
0xaa: {  	s30 =	simm.s32 $0x3;
	s6 =	sadd.s32 s2, s6;
	[sflag:s29] =	ssyncadd.s32 $0xFFFFFE00  }
0xab: {  	[hbm4b:s6+s3] =	stream.linear.scatter [tilespmem:s25], [sflag:$0x4], $0x200, $0x38;
	[tilespmem:$0x1000] =	vst v63  }
0xac: {  	_ =	swait.ge [sflag:s30], $0x200  }
0xad: {  	[sflag:s30] =	ssyncset.done $0x0  }
0xae: {  	s31 =	simm.s32 $0x4;
	s2 =	sadd.s32 s2, s19;
	[sflag:s30] =	ssyncadd.s32 $0xFFFFFE00  }
0xaf: {  	[hbm4b:s2+s3] =	stream.linear.scatter [tilespmem:s28], [sflag:$0x4], $0x200, $0x38;
	[tilespmem:$0x1000] =	vst v63  }
0xb0: {  	_ =	swait.ge [sflag:s31], $0x200  }
0xb1: {  	[sflag:s31] =	ssyncset.done $0x0  }
0xb2: {  	[sflag:s31] =	ssyncadd.s32 $0xFFFFFE00  }
0xb3: {  	_ =	swait.ge [sflag:s31], $0x200  }
0xb4: {  	[sflag:s31] =	ssyncset.done $0x0  }
0xb5: {  	[sflag:s31] =	ssyncadd.s32 $0xFFFFFE00  }
0xb6: {  	_ =	sfence.sel $0x180000  }
0xb7: {  	[bflag:$0x0] =	sbarrier.arrive $0xFFFF  }
0xb8: {  	p0 =	sne.s32 s1, $0x0;
	_ =	strace $0x90000047  }
0xb9: {  	s0 =	sadd.s32 @!p0 $0x100000, s0;
	[bflag:$0x2] =	sbarrier.arrive $0xFFFF  }
0xba: {  	[sflag:s0] =	ssyncadd.tile.s32 @!p0 $0x1;
	_ =	shalt  }
.Lfunc_end2:
_tile_overlayer_lowered:
.L_overlay_start_2:
0xbb: {  	(tag) =	ssettag $0x2  }
0xbc: {  	s0 =	rddreg [dreg:$0x0];
	s2 =	stileid.u32  }
0xbd: {  	s1 =	rddreg [dreg:$0x1];
	p0 =	sne.s32 s2, $0x0  }
0xbe: {  	s3 =	rddreg [dreg:$0x2];
	[bflag:$0x3] =	sbarrier.arrive $0xFFFF;
	s2 =	simm.s32 @!p0 $0x1C05  }
0xbf: {  	[timem:s3], [sflag:s2] =	dma.local @!p0 [hbm:s0], s1  }
0xc0: {  	s0 =	simm.s32 @!p0 $0x5  }
0xc1: {  	_ =	swait.ge @!p0 [sflag:s0], s1  }
0xc2: {  	s1 =	ssub.s32 @!p0 $0x0, s1;
	[sflag:s0] =	ssyncset.done @!p0 $0x0  }
0xc3: {  	[sflag:s0] =	ssyncadd.s32 @!p0 s1  }
0xc4: {  	[bflag:$0x3] =	sbarrier.arrive $0xFFFF  }
0xc5: {  	_ =	shalt  }

</sc_bundles>
